<compile_context>
chip_gen: v7x
topology: tpu7x:2x2x1
jax: 0.10.2.dev20260603
libtpu: 0.0.44.dev20260713+nightly
codegen_flags: <defaults>
</compile_context>

<pallas_src>
import functools

import jax
import jax.numpy as jnp
from jax import lax
from jax.experimental import pallas as pl
from jax.experimental.pallas import tpu as pltpu
from jax.experimental.pallas import tpu_sc as plsc

N = 10000
E = 320000
D_IN = 128
KSZ = 10
D_CONV = D_IN - (KSZ - 1)
H = 64

NC = 2
NS = 16
EPT = E // (NC * NS)
CHUNK = 80
NCHUNK = EPT // CHUNK
N_PAD = 10240
RPT = N_PAD // NS
RCHUNK = 128
D_AUG = 72


NBUF = 5
NGRP = NCHUNK // NBUF


@functools.lru_cache(maxsize=None)
def _make_segsum(D):
  mesh = plsc.VectorSubcoreMesh(
      core_axis_name="c", subcore_axis_name="s", num_cores=NC, num_subcores=NS)

  @functools.partial(
      pl.kernel,
      out_type=jax.ShapeDtypeStruct((NC * N_PAD, 128), jnp.float32),
      mesh=mesh,
      compiler_params=pltpu.CompilerParams(use_tc_tiling_on_sc=False),
      scratch_types=[
          pltpu.VMEM((NCHUNK, CHUNK), jnp.int32),
          pltpu.VMEM((NCHUNK, CHUNK), jnp.int32),
          [pltpu.VMEM((CHUNK, D), jnp.float32) for _ in range(NBUF)],
          pltpu.VMEM((RCHUNK, 128), jnp.float32),
          pltpu.VMEM_SHARED((N_PAD, D), jnp.float32),
          pltpu.SemaphoreType.DMA,
          [pltpu.SemaphoreType.DMA for _ in range(NBUF)],
          [pltpu.SemaphoreType.DMA for _ in range(NBUF)],
      ],
  )
  def seg(edges_hbm, table_hbm, out_hbm,
          sidx, didx, rows, zbuf, agg, sem_i, sem_g, sem_s):
    c = lax.axis_index("c")
    s = lax.axis_index("s")
    tid = c * NS + s

    di_s = pltpu.async_copy(edges_hbm.at[0, tid], sidx, sem_i)
    di_d = pltpu.async_copy(edges_hbm.at[1, tid], didx, sem_i)

    zv = jnp.zeros((16,), jnp.float32)

    def zfill(i, _):
      for k in range(128 // 16):
        zbuf[i, pl.ds(k * 16, 16)] = zv
      return _

    lax.fori_loop(0, RCHUNK, zfill, None)

    row0 = s * RPT

    def zinit(j, _):
      pltpu.sync_copy(zbuf.at[:, pl.ds(0, D)],
                      agg.at[pl.ds(row0 + j * RCHUNK, RCHUNK)])
      return _

    lax.fori_loop(0, RPT // RCHUNK, zinit, None)
    di_s.wait()
    di_d.wait()
    plsc.subcore_barrier()

    def turn(g, _):
      gd = []
      for b in range(NBUF):
        @pl.when(g > 0)
        def _wait_prev():
          pltpu.make_async_copy(
              rows[b], agg.at[didx.at[g * NBUF + b]], sem_s[b]).wait()
        gd.append(pltpu.async_copy(
            table_hbm.at[sidx.at[g * NBUF + b]], rows[b], sem_g[b]))
      for b in range(NBUF):
        gd[b].wait()
        pltpu.async_copy(
            rows[b], agg.at[didx.at[g * NBUF + b]], sem_s[b], add=True)
      return _

    lax.fori_loop(0, NGRP, turn, None)
    for b in range(NBUF):
      pltpu.make_async_copy(
          rows[b], agg.at[didx.at[b]], sem_s[b]).wait()
    plsc.subcore_barrier()

    obase = c * N_PAD + row0

    def wout(j, _):
      pltpu.sync_copy(agg.at[pl.ds(row0 + j * RCHUNK, RCHUNK)],
                      zbuf.at[:, pl.ds(0, D)])
      pltpu.sync_copy(zbuf, out_hbm.at[pl.ds(obase + j * RCHUNK, RCHUNK)])
      return _

    lax.fori_loop(0, RPT // RCHUNK, wout, None)

  return seg


def _prologue_body(w_ref, b_ref, x_ref, ws_ref, wn_ref, hs_ref, taug_ref):
  d_i = lax.broadcasted_iota(jnp.int32, (D_IN, D_CONV), 0)
  j_i = lax.broadcasted_iota(jnp.int32, (D_IN, D_CONV), 1)
  k = d_i - j_i
  wc = jnp.zeros((D_IN, D_CONV), jnp.float32)
  for t in range(KSZ):
    wc = wc + jnp.where(k == t, w_ref[0, t], 0.0)
  h0 = jnp.dot(x_ref[...], wc, preferred_element_type=jnp.float32) + b_ref[0, 0]
  hs_ref[...] = jnp.dot(h0, ws_ref[...], preferred_element_type=jnp.float32)
  hw = jnp.dot(h0, wn_ref[...], preferred_element_type=jnp.float32)
  taug_ref[:, :H] = hw
  col = lax.broadcasted_iota(jnp.int32, (N, D_AUG - H), 1)
  taug_ref[:, H:] = jnp.where(col == 0, 1.0, 0.0)


_prologue = pl.pallas_call(
    _prologue_body,
    out_shape=[
        jax.ShapeDtypeStruct((N, H), jnp.float32),
        jax.ShapeDtypeStruct((N, D_AUG), jnp.float32),
    ],
    in_specs=[
        pl.BlockSpec(memory_space=pltpu.SMEM),
        pl.BlockSpec(memory_space=pltpu.SMEM),
        pl.BlockSpec(),
        pl.BlockSpec(),
        pl.BlockSpec(),
    ],
)


def _mid_body(hs1_ref, p_ref, b1_ref, ws2_ref, wn2_ref,
              hs2_ref, hw2_ref, invdeg_ref):
  p = p_ref[pl.ds(0, N), :] + p_ref[pl.ds(N_PAD, N), :]
  agg = p[:, :H]
  deg = p[:, H:H + 1]
  invdeg = 1.0 / jnp.maximum(deg, 1.0)
  h1 = jax.nn.relu(hs1_ref[...] + agg * invdeg + b1_ref[...])
  hs2_ref[...] = jnp.dot(h1, ws2_ref[...], preferred_element_type=jnp.float32)
  hw2_ref[...] = jnp.dot(h1, wn2_ref[...], preferred_element_type=jnp.float32)
  invdeg_ref[...] = invdeg


_mid = pl.pallas_call(
    _mid_body,
    out_shape=[
        jax.ShapeDtypeStruct((N, H // 2), jnp.float32),
        jax.ShapeDtypeStruct((N, H // 2), jnp.float32),
        jax.ShapeDtypeStruct((N, 1), jnp.float32),
    ],
)


def _tail_body(hs2_ref, q_ref, invdeg_ref, b2_ref,
               w1_ref, b1_ref, w2_ref, b2f_ref, w3_ref, b3_ref, out_ref):
  q = q_ref[pl.ds(0, N), :] + q_ref[pl.ds(N_PAD, N), :]
  agg = q[:, :H // 2]
  h2 = jax.nn.relu(hs2_ref[...] + agg * invdeg_ref[...] + b2_ref[...])
  a = jax.nn.relu(
      jnp.dot(h2, w1_ref[...], preferred_element_type=jnp.float32) + b1_ref[...])
  b = jax.nn.relu(
      jnp.dot(a, w2_ref[...], preferred_element_type=jnp.float32) + b2f_ref[...])
  out_ref[...] = jnp.sum(b * w3_ref[...], axis=1, keepdims=True) + b3_ref[...]


_tail = pl.pallas_call(
    _tail_body,
    out_shape=jax.ShapeDtypeStruct((N, 1), jnp.float32),
)


def kernel(x, edge_index, conv1d_w, conv1d_b, W_self1, W_neigh1, b1,
           W_self2, W_neigh2, b2, fc1_w, fc1_b, fc2_w, fc2_b, fc3_w, fc3_b):
  hs1, taug = _prologue(conv1d_w.reshape(1, KSZ), conv1d_b.reshape(1, 1),
                        x, W_self1, W_neigh1)
  edges = edge_index.reshape(2, NC * NS, NCHUNK, CHUNK)
  p = _make_segsum(D_AUG)(edges, taug)
  hs2, hw2, invdeg = _mid(hs1, p, b1.reshape(1, H),
                          W_self2, W_neigh2)
  q = _make_segsum(H // 2)(edges, hw2)
  out = _tail(hs2, q, invdeg, b2.reshape(1, H // 2),
              fc1_w, fc1_b.reshape(1, H // 4), fc2_w, fc2_b.reshape(1, H // 8),
              fc3_w.reshape(1, H // 8), fc3_b.reshape(1, 1))
  return out

# --- scband reference (transcript-rebuilt; emitter-appended) ---
"""Pipeline reference for scband-node-binary-classifier-5282809774728 (READ-ONLY COPY).

The authoritative reference and input builder live on the scoring server;
editing this copy changes nothing except your own understanding.
"""

import jax, jax.numpy as jnp
import numpy as np

N = 10000
E = 320000
D_IN = 128
KSZ = 10
D_CONV = D_IN - (KSZ - 1)
H = 64

def setup_inputs(seed: int = 0):
    key = jax.random.key(seed)
    ks = jax.random.split(key, 20)
    inp = {}
    inp['x'] = jax.random.normal(ks[0], (N, D_IN), dtype=jnp.float32)
    inp['edge_index'] = jax.random.randint(ks[1], (2, E), 0, N, dtype=jnp.int32)
    inp['conv1d_w'] = 0.1 * jax.random.normal(ks[2], (1, 1, KSZ), dtype=jnp.float32)
    inp['conv1d_b'] = jnp.zeros((1,), dtype=jnp.float32)
    inp['W_self1'] = 0.05 * jax.random.normal(ks[3], (D_CONV, H), dtype=jnp.float32)
    inp['W_neigh1'] = 0.05 * jax.random.normal(ks[4], (D_CONV, H), dtype=jnp.float32)
    inp['b1'] = jnp.zeros((H,), dtype=jnp.float32)
    inp['W_self2'] = 0.05 * jax.random.normal(ks[5], (H, H // 2), dtype=jnp.float32)
    inp['W_neigh2'] = 0.05 * jax.random.normal(ks[6], (H, H // 2), dtype=jnp.float32)
    inp['b2'] = jnp.zeros((H // 2,), dtype=jnp.float32)
    inp['fc1_w'] = 0.1 * jax.random.normal(ks[7], (H // 2, H // 4), dtype=jnp.float32)
    inp['fc1_b'] = jnp.zeros((H // 4,), dtype=jnp.float32)
    inp['fc2_w'] = 0.1 * jax.random.normal(ks[8], (H // 4, H // 8), dtype=jnp.float32)
    inp['fc2_b'] = jnp.zeros((H // 8,), dtype=jnp.float32)
    inp['fc3_w'] = 0.1 * jax.random.normal(ks[9], (H // 8, 1), dtype=jnp.float32)
    inp['fc3_b'] = jnp.zeros((1,), dtype=jnp.float32)
    return inp

def _sage(h, src, dst, W_self, W_neigh, b):
    # DGL SAGEConv with 'mean' aggregator: fc_self(h) + fc_neigh(mean_{u in N(v)} h_u)
    msg = jnp.take(h, src, axis=0)
    agg = jax.ops.segment_sum(msg, dst, num_segments=N)
    deg = jax.ops.segment_sum(jnp.ones((src.shape[0],), dtype=h.dtype), dst, num_segments=N)
    h_neigh = agg / jnp.maximum(deg, 1.0)[:, None]
    return h @ W_self + h_neigh @ W_neigh + b

def reference(x, edge_index, conv1d_w, conv1d_b, W_self1, W_neigh1, b1, W_self2, W_neigh2, b2, fc1_w, fc1_b, fc2_w, fc2_b, fc3_w, fc3_b):
    src = edge_index[0]
    dst = edge_index[1]
    # Conv1d over the feature axis: [N, 1, D_IN] -> [N, 1, D_CONV]
    h = x[:, None, :]
    h = jax.lax.conv_general_dilated(h, conv1d_w, window_strides=(1,), padding='VALID', dimension_numbers=('NCH', 'OIH', 'NCH'))
    h = h + conv1d_b[None, :, None]
    h = h[:, 0, :]
    # Two SAGE layers (conv_dropout / feat_drop are identity at p=0)
    h = jax.nn.relu(_sage(h, src, dst, W_self1, W_neigh1, b1))
    h = jax.nn.relu(_sage(h, src, dst, W_self2, W_neigh2, b2))
    # MLP head
    h = jax.nn.relu(h @ fc1_w + fc1_b)
    h = jax.nn.relu(h @ fc2_w + fc2_b)
    out = h @ fc3_w + fc3_b
    return out

if __name__ == "__main__":
    import jax
    _d = setup_inputs()
    print(jax.jit(kernel)(*tuple(_d.values())))

</pallas_src>

<mosaic_0001>
#map = affine_map<(d0, d1) -> (0, 0, 0, 0)>
#map1 = affine_map<(d0, d1) -> (0, 0)>
module attributes {stable_mosaic.version = 14 : i64} {
  func.func @seg(%arg0: i32, %arg1: i32, %arg2: memref<2x32x125x80xi32, #tpu.memory_space<hbm>>, %arg3: memref<10000x32xf32, #tpu.memory_space<hbm>>, %arg4: memref<20480x128xf32, #tpu.memory_space<hbm>>, %arg5: memref<125x80xi32, #tpu.memory_space<vmem>>, %arg6: memref<125x80xi32, #tpu.memory_space<vmem>>, %arg7: memref<80x32xf32, #tpu.memory_space<vmem>>, %arg8: memref<80x32xf32, #tpu.memory_space<vmem>>, %arg9: memref<80x32xf32, #tpu.memory_space<vmem>>, %arg10: memref<80x32xf32, #tpu.memory_space<vmem>>, %arg11: memref<80x32xf32, #tpu.memory_space<vmem>>, %arg12: memref<128x128xf32, #tpu.memory_space<vmem>>, %arg13: memref<10240x32xf32, #tpu.memory_space<vmem_shared>>, %arg14: memref<!tpu.dma_semaphore, #tpu.memory_space<semaphore_mem>>, %arg15: memref<!tpu.dma_semaphore, #tpu.memory_space<semaphore_mem>>, %arg16: memref<!tpu.dma_semaphore, #tpu.memory_space<semaphore_mem>>, %arg17: memref<!tpu.dma_semaphore, #tpu.memory_space<semaphore_mem>>, %arg18: memref<!tpu.dma_semaphore, #tpu.memory_space<semaphore_mem>>, %arg19: memref<!tpu.dma_semaphore, #tpu.memory_space<semaphore_mem>>, %arg20: memref<!tpu.dma_semaphore, #tpu.memory_space<semaphore_mem>>, %arg21: memref<!tpu.dma_semaphore, #tpu.memory_space<semaphore_mem>>, %arg22: memref<!tpu.dma_semaphore, #tpu.memory_space<semaphore_mem>>, %arg23: memref<!tpu.dma_semaphore, #tpu.memory_space<semaphore_mem>>, %arg24: memref<!tpu.dma_semaphore, #tpu.memory_space<semaphore_mem>>) attributes {dimension_semantics = [#tpu.dimension_semantics<core_parallel>, #tpu.dimension_semantics<subcore_parallel>], iteration_bounds = array<i64: 2, 16>, scalar_prefetch = 0 : i64, scratch_operands = 20 : i64, tpu.core_type = #tpu.core_type<sc_vector_subcore>, window_params = [{transform_indices = #map}, {transform_indices = #map1}, {transform_indices = #map1}]} {
    %mul3A = arith.constant 16 : i32
    %mul3A_0 = arith.muli %arg0, %mul3A : i32
    %add3A = arith.addi %mul3A_0, %arg1 : i32
    %dma_start3A = arith.constant 0 : i32
    %dma_start3A_1 = arith.constant 0 : i32
    %dma_start3A_2 = arith.constant 0 : i32
    %dma_start3A_3 = tpu.memref_slice %arg2[%dma_start3A, %add3A, %dma_start3A_1, %dma_start3A_2] : memref<2x32x125x80xi32, #tpu.memory_space<hbm>> -> memref<1x1x125x80xi32, #tpu.memory_space<hbm>>
    %dma_start3A_4 = tpu.memref_squeeze %dma_start3A_3 : memref<1x1x125x80xi32, #tpu.memory_space<hbm>> -> memref<125x80xi32, #tpu.memory_space<hbm>>
    %dma_start3A_5 = arith.constant 0 : i32
    %dma_start3A_6 = arith.constant 0 : i32
    %dma_start3A_7 = tpu.memref_slice %arg2[%dma_start3A, %add3A, %dma_start3A_5, %dma_start3A_6] : memref<2x32x125x80xi32, #tpu.memory_space<hbm>> -> memref<1x1x125x80xi32, #tpu.memory_space<hbm>>
    %dma_start3A_8 = tpu.memref_squeeze %dma_start3A_7 : memref<1x1x125x80xi32, #tpu.memory_space<hbm>> -> memref<125x80xi32, #tpu.memory_space<hbm>>
    tpu.enqueue_dma source(%dma_start3A_8 : memref<125x80xi32, #tpu.memory_space<hbm>>) target(%arg5 : memref<125x80xi32, #tpu.memory_space<vmem>>) target_semaphore(%arg14 : memref<!tpu.dma_semaphore, #tpu.memory_space<semaphore_mem>>)
    %dma_start3A_9 = arith.constant 1 : i32
    %dma_start3A_10 = arith.constant 0 : i32
    %dma_start3A_11 = arith.constant 0 : i32
    %dma_start3A_12 = tpu.memref_slice %arg2[%dma_start3A_9, %add3A, %dma_start3A_10, %dma_start3A_11] : memref<2x32x125x80xi32, #tpu.memory_space<hbm>> -> memref<1x1x125x80xi32, #tpu.memory_space<hbm>>
    %dma_start3A_13 = tpu.memref_squeeze %dma_start3A_12 : memref<1x1x125x80xi32, #tpu.memory_space<hbm>> -> memref<125x80xi32, #tpu.memory_space<hbm>>
    %dma_start3A_14 = arith.constant 0 : i32
    %dma_start3A_15 = arith.constant 0 : i32
    %dma_start3A_16 = tpu.memref_slice %arg2[%dma_start3A_9, %add3A, %dma_start3A_14, %dma_start3A_15] : memref<2x32x125x80xi32, #tpu.memory_space<hbm>> -> memref<1x1x125x80xi32, #tpu.memory_space<hbm>>
    %dma_start3A_17 = tpu.memref_squeeze %dma_start3A_16 : memref<1x1x125x80xi32, #tpu.memory_space<hbm>> -> memref<125x80xi32, #tpu.memory_space<hbm>>
    tpu.enqueue_dma source(%dma_start3A_17 : memref<125x80xi32, #tpu.memory_space<hbm>>) target(%arg6 : memref<125x80xi32, #tpu.memory_space<vmem>>) target_semaphore(%arg14 : memref<!tpu.dma_semaphore, #tpu.memory_space<semaphore_mem>>)
    %broadcast_in_dim3A = arith.constant 0.000000e+00 : f32
    %broadcast_in_dim3A_18 = vector.broadcast %broadcast_in_dim3A : f32 to vector<16xf32>
    %scan3A = arith.constant 0 : i32
    %scan3A_19 = arith.constant 128 : i32
    %scan3A_20 = arith.addi %scan3A, %scan3A_19 : i32
    %scan3A_21 = arith.constant 1 : i32
    scf.for %scan3A_96 = %scan3A to %scan3A_20 step %scan3A_21  : i32 {
      %swap3A = arith.index_cast %scan3A_96 : i32 to index
      %swap3A_97 = arith.constant 0 : index
      %swap3A_98 = tpu.vector_load %arg12[%swap3A, %swap3A_97] {strides = array<i32>} : memref<128x128xf32, #tpu.memory_space<vmem>>, vector<1x16xf32>,
      %swap3A_99 = vector.shape_cast %swap3A_98 : vector<1x16xf32> to vector<16xf32>
      %swap3A_100 = vector.shape_cast %broadcast_in_dim3A_18 : vector<16xf32> to vector<1x16xf32>
      tpu.vector_store %arg12[%swap3A, %swap3A_97], %swap3A_100 {strides = array<i32>} : memref<128x128xf32, #tpu.memory_space<vmem>>, vector<1x16xf32>,
      %swap3A_101 = arith.index_cast %scan3A_96 : i32 to index
      %swap3A_102 = arith.constant 16 : index
      %swap3A_103 = tpu.vector_load %arg12[%swap3A_101, %swap3A_102] {strides = array<i32>} : memref<128x128xf32, #tpu.memory_space<vmem>>, vector<1x16xf32>,
      %swap3A_104 = vector.shape_cast %swap3A_103 : vector<1x16xf32> to vector<16xf32>
      %swap3A_105 = vector.shape_cast %broadcast_in_dim3A_18 : vector<16xf32> to vector<1x16xf32>
      tpu.vector_store %arg12[%swap3A_101, %swap3A_102], %swap3A_105 {strides = array<i32>} : memref<128x128xf32, #tpu.memory_space<vmem>>, vector<1x16xf32>,
      %swap3A_106 = arith.index_cast %scan3A_96 : i32 to index
      %swap3A_107 = arith.constant 32 : index
      %swap3A_108 = tpu.vector_load %arg12[%swap3A_106, %swap3A_107] {strides = array<i32>} : memref<128x128xf32, #tpu.memory_space<vmem>>, vector<1x16xf32>,
      %swap3A_109 = vector.shape_cast %swap3A_108 : vector<1x16xf32> to vector<16xf32>
      %swap3A_110 = vector.shape_cast %broadcast_in_dim3A_18 : vector<16xf32> to vector<1x16xf32>
      tpu.vector_store %arg12[%swap3A_106, %swap3A_107], %swap3A_110 {strides = array<i32>} : memref<128x128xf32, #tpu.memory_space<vmem>>, vector<1x16xf32>,
      %swap3A_111 = arith.index_cast %scan3A_96 : i32 to index
      %swap3A_112 = arith.constant 48 : index
      %swap3A_113 = tpu.vector_load %arg12[%swap3A_111, %swap3A_112] {strides = array<i32>} : memref<128x128xf32, #tpu.memory_space<vmem>>, vector<1x16xf32>,
      %swap3A_114 = vector.shape_cast %swap3A_113 : vector<1x16xf32> to vector<16xf32>
      %swap3A_115 = vector.shape_cast %broadcast_in_dim3A_18 : vector<16xf32> to vector<1x16xf32>
      tpu.vector_store %arg12[%swap3A_111, %swap3A_112], %swap3A_115 {strides = array<i32>} : memref<128x128xf32, #tpu.memory_space<vmem>>, vector<1x16xf32>,
      %swap3A_116 = arith.index_cast %scan3A_96 : i32 to index
      %swap3A_117 = arith.constant 64 : index
      %swap3A_118 = tpu.vector_load %arg12[%swap3A_116, %swap3A_117] {strides = array<i32>} : memref<128x128xf32, #tpu.memory_space<vmem>>, vector<1x16xf32>,
      %swap3A_119 = vector.shape_cast %swap3A_118 : vector<1x16xf32> to vector<16xf32>
      %swap3A_120 = vector.shape_cast %broadcast_in_dim3A_18 : vector<16xf32> to vector<1x16xf32>
      tpu.vector_store %arg12[%swap3A_116, %swap3A_117], %swap3A_120 {strides = array<i32>} : memref<128x128xf32, #tpu.memory_space<vmem>>, vector<1x16xf32>,
      %swap3A_121 = arith.index_cast %scan3A_96 : i32 to index
      %swap3A_122 = arith.constant 80 : index
      %swap3A_123 = tpu.vector_load %arg12[%swap3A_121, %swap3A_122] {strides = array<i32>} : memref<128x128xf32, #tpu.memory_space<vmem>>, vector<1x16xf32>,
      %swap3A_124 = vector.shape_cast %swap3A_123 : vector<1x16xf32> to vector<16xf32>
      %swap3A_125 = vector.shape_cast %broadcast_in_dim3A_18 : vector<16xf32> to vector<1x16xf32>
      tpu.vector_store %arg12[%swap3A_121, %swap3A_122], %swap3A_125 {strides = array<i32>} : memref<128x128xf32, #tpu.memory_space<vmem>>, vector<1x16xf32>,
      %swap3A_126 = arith.index_cast %scan3A_96 : i32 to index
      %swap3A_127 = arith.constant 96 : index
      %swap3A_128 = tpu.vector_load %arg12[%swap3A_126, %swap3A_127] {strides = array<i32>} : memref<128x128xf32, #tpu.memory_space<vmem>>, vector<1x16xf32>,
      %swap3A_129 = vector.shape_cast %swap3A_128 : vector<1x16xf32> to vector<16xf32>
      %swap3A_130 = vector.shape_cast %broadcast_in_dim3A_18 : vector<16xf32> to vector<1x16xf32>
      tpu.vector_store %arg12[%swap3A_126, %swap3A_127], %swap3A_130 {strides = array<i32>} : memref<128x128xf32, #tpu.memory_space<vmem>>, vector<1x16xf32>,
      %swap3A_131 = arith.index_cast %scan3A_96 : i32 to index
      %swap3A_132 = arith.constant 112 : index
      %swap3A_133 = tpu.vector_load %arg12[%swap3A_131, %swap3A_132] {strides = array<i32>} : memref<128x128xf32, #tpu.memory_space<vmem>>, vector<1x16xf32>,
      %swap3A_134 = vector.shape_cast %swap3A_133 : vector<1x16xf32> to vector<16xf32>
      %swap3A_135 = vector.shape_cast %broadcast_in_dim3A_18 : vector<16xf32> to vector<1x16xf32>
      tpu.vector_store %arg12[%swap3A_131, %swap3A_132], %swap3A_135 {strides = array<i32>} : memref<128x128xf32, #tpu.memory_space<vmem>>, vector<1x16xf32>,
    }
    %scan3A_22 = arith.constant 128 : i32
    %mul3A_23 = arith.constant 640 : i32
    %mul3A_24 = arith.muli %arg1, %mul3A_23 : i32
    %scan3A_25 = arith.constant 0 : i32
    %scan3A_26 = arith.constant 5 : i32
    %scan3A_27 = arith.addi %scan3A_25, %scan3A_26 : i32
    %scan3A_28 = arith.constant 1 : i32
    scf.for %scan3A_96 = %scan3A_25 to %scan3A_27 step %scan3A_28  : i32 {
      %mul3A_97 = arith.constant 128 : i32
      %mul3A_98 = arith.muli %scan3A_96, %mul3A_97 : i32
      %add3A_99 = arith.addi %mul3A_24, %mul3A_98 : i32
      "tpu.region"() ({
        %run_scoped3A = tpu.sem_alloc : memref<!tpu.dma_semaphore, #tpu.memory_space<semaphore_mem>>
        %dma_start3A_100 = arith.constant 0 : i32
        %dma_start3A_101 = arith.constant 0 : i32
        %dma_start3A_102 = tpu.memref_slice %arg12[%dma_start3A_100, %dma_start3A_101] : memref<128x128xf32, #tpu.memory_space<vmem>> -> memref<128x32xf32, #tpu.memory_space<vmem>>
        %dma_start3A_103 = arith.constant 0 : i32
        %dma_start3A_104 = tpu.memref_slice %arg13[%add3A_99, %dma_start3A_103] : memref<10240x32xf32, #tpu.memory_space<vmem_shared>> -> memref<128x32xf32, #tpu.memory_space<vmem_shared>>
        %dma_start3A_105 = arith.constant 0 : i32
        %dma_start3A_106 = tpu.memref_slice %arg13[%add3A_99, %dma_start3A_105] : memref<10240x32xf32, #tpu.memory_space<vmem_shared>> -> memref<128x32xf32, #tpu.memory_space<vmem_shared>>
        %dma_start3A_107 = arith.constant 0 : i32
        %dma_start3A_108 = arith.constant 0 : i32
        %dma_start3A_109 = tpu.memref_slice %arg12[%dma_start3A_107, %dma_start3A_108] : memref<128x128xf32, #tpu.memory_space<vmem>> -> memref<128x32xf32, #tpu.memory_space<vmem>>
        tpu.enqueue_dma source(%dma_start3A_109 : memref<128x32xf32, #tpu.memory_space<vmem>>) target(%dma_start3A_106 : memref<128x32xf32, #tpu.memory_space<vmem_shared>>) target_semaphore(%run_scoped3A : memref<!tpu.dma_semaphore, #tpu.memory_space<semaphore_mem>>)
        %dma_wait3A_110 = arith.constant 0 : i32
        %dma_wait3A_111 = arith.constant 0 : i32
        %dma_wait3A_112 = tpu.memref_slice %arg12[%dma_wait3A_110, %dma_wait3A_111] : memref<128x128xf32, #tpu.memory_space<vmem>> -> memref<128x32xf32, #tpu.memory_space<vmem>>
        %dma_wait3A_113 = arith.constant 0 : i32
        %dma_wait3A_114 = tpu.memref_slice %arg13[%add3A_99, %dma_wait3A_113] : memref<10240x32xf32, #tpu.memory_space<vmem_shared>> -> memref<128x32xf32, #tpu.memory_space<vmem_shared>>
        %dma_wait3A_115 = arith.constant 0 : i32
        %dma_wait3A_116 = tpu.memref_slice %arg13[%add3A_99, %dma_wait3A_115] : memref<10240x32xf32, #tpu.memory_space<vmem_shared>> -> memref<128x32xf32, #tpu.memory_space<vmem_shared>>
        %dma_wait3A_117 = arith.constant 0 : i32
        %dma_wait3A_118 = arith.constant 0 : i32
        %dma_wait3A_119 = tpu.memref_slice %arg12[%dma_wait3A_117, %dma_wait3A_118] : memref<128x128xf32, #tpu.memory_space<vmem>> -> memref<128x32xf32, #tpu.memory_space<vmem>>
        tpu.wait_dma2 semaphore(%run_scoped3A : memref<!tpu.dma_semaphore, #tpu.memory_space<semaphore_mem>>) src(%dma_wait3A_119 : memref<128x32xf32, #tpu.memory_space<vmem>>) dst(%dma_wait3A_116 : memref<128x32xf32, #tpu.memory_space<vmem_shared>>)
        tpu.yield
      }) : () -> ()
    }
    %scan3A_29 = arith.constant 5 : i32
    %dma_wait3A = arith.constant 0 : i32
    %dma_wait3A_30 = arith.constant 0 : i32
    %dma_wait3A_31 = arith.constant 0 : i32
    %dma_wait3A_32 = tpu.memref_slice %arg2[%dma_wait3A, %add3A, %dma_wait3A_30, %dma_wait3A_31] : memref<2x32x125x80xi32, #tpu.memory_space<hbm>> -> memref<1x1x125x80xi32, #tpu.memory_space<hbm>>
    %dma_wait3A_33 = tpu.memref_squeeze %dma_wait3A_32 : memref<1x1x125x80xi32, #tpu.memory_space<hbm>> -> memref<125x80xi32, #tpu.memory_space<hbm>>
    %dma_wait3A_34 = arith.constant 0 : i32
    %dma_wait3A_35 = arith.constant 0 : i32
    %dma_wait3A_36 = tpu.memref_slice %arg2[%dma_wait3A, %add3A, %dma_wait3A_34, %dma_wait3A_35] : memref<2x32x125x80xi32, #tpu.memory_space<hbm>> -> memref<1x1x125x80xi32, #tpu.memory_space<hbm>>
    %dma_wait3A_37 = tpu.memref_squeeze %dma_wait3A_36 : memref<1x1x125x80xi32, #tpu.memory_space<hbm>> -> memref<125x80xi32, #tpu.memory_space<hbm>>
    tpu.wait_dma2 semaphore(%arg14 : memref<!tpu.dma_semaphore, #tpu.memory_space<semaphore_mem>>) src(%dma_wait3A_37 : memref<125x80xi32, #tpu.memory_space<hbm>>) dst(%arg5 : memref<125x80xi32, #tpu.memory_space<vmem>>)
    %dma_wait3A_38 = arith.constant 1 : i32
    %dma_wait3A_39 = arith.constant 0 : i32
    %dma_wait3A_40 = arith.constant 0 : i32
    %dma_wait3A_41 = tpu.memref_slice %arg2[%dma_wait3A_38, %add3A, %dma_wait3A_39, %dma_wait3A_40] : memref<2x32x125x80xi32, #tpu.memory_space<hbm>> -> memref<1x1x125x80xi32, #tpu.memory_space<hbm>>
    %dma_wait3A_42 = tpu.memref_squeeze %dma_wait3A_41 : memref<1x1x125x80xi32, #tpu.memory_space<hbm>> -> memref<125x80xi32, #tpu.memory_space<hbm>>
    %dma_wait3A_43 = arith.constant 0 : i32
    %dma_wait3A_44 = arith.constant 0 : i32
    %dma_wait3A_45 = tpu.memref_slice %arg2[%dma_wait3A_38, %add3A, %dma_wait3A_43, %dma_wait3A_44] : memref<2x32x125x80xi32, #tpu.memory_space<hbm>> -> memref<1x1x125x80xi32, #tpu.memory_space<hbm>>
    %dma_wait3A_46 = tpu.memref_squeeze %dma_wait3A_45 : memref<1x1x125x80xi32, #tpu.memory_space<hbm>> -> memref<125x80xi32, #tpu.memory_space<hbm>>
    tpu.wait_dma2 semaphore(%arg14 : memref<!tpu.dma_semaphore, #tpu.memory_space<semaphore_mem>>) src(%dma_wait3A_46 : memref<125x80xi32, #tpu.memory_space<hbm>>) dst(%arg6 : memref<125x80xi32, #tpu.memory_space<vmem>>)
    %barrier3A = arith.constant 0 : index
    tpu.barrier barrier_id(%barrier3A)
    %scan3A_47 = arith.constant 0 : i32
    %scan3A_48 = arith.constant 25 : i32
    %scan3A_49 = arith.addi %scan3A_47, %scan3A_48 : i32
    %scan3A_50 = arith.constant 1 : i32
    scf.for %scan3A_96 = %scan3A_47 to %scan3A_49 step %scan3A_50  : i32 {
      %gt3A = arith.constant 0 : i32
      %gt3A_97 = arith.cmpi sgt, %scan3A_96, %gt3A : i32
      %convert_element_type3A = arith.extui %gt3A_97 : i1 to i32
      %cond3A = arith.constant 0 : i32
      %cond3A_98 = arith.cmpi ne, %convert_element_type3A, %cond3A : i32
      scf.if %cond3A_98 {
        %mul3A_249 = arith.constant 5 : i32
        %mul3A_250 = arith.muli %scan3A_96, %mul3A_249 : i32
        %add3A_251 = arith.constant 0 : i32
        %add3A_252 = arith.addi %mul3A_250, %add3A_251 : i32
        %dma_wait3A_253 = arith.constant 0 : i32
        %dma_wait3A_254 = tpu.memref_slice %arg6[%add3A_252, %dma_wait3A_253] : memref<125x80xi32, #tpu.memory_space<vmem>> -> memref<1x80xi32, #tpu.memory_space<vmem>>
        %dma_wait3A_255 = tpu.memref_squeeze %dma_wait3A_254 : memref<1x80xi32, #tpu.memory_space<vmem>> -> memref<80xi32, #tpu.memory_space<vmem>>
        %dma_wait3A_256 = arith.constant 0 : i32
        %dma_wait3A_257 = arith.constant 0 : i32
        %dma_wait3A_258 = tpu.memref_slice %arg13[%dma_wait3A_256, %dma_wait3A_257] : memref<10240x32xf32, #tpu.memory_space<vmem_shared>> -> memref<10240x32xf32, #tpu.memory_space<vmem_shared>>
        tpu.wait_indirect_dma semaphore(%arg20 : memref<!tpu.dma_semaphore, #tpu.memory_space<semaphore_mem>>) src(%arg7 : memref<80x32xf32, #tpu.memory_space<vmem>>) dst(%dma_wait3A_258 : memref<10240x32xf32, #tpu.memory_space<vmem_shared>>)
      } else {
      }
      %mul3A_99 = arith.constant 5 : i32
      %mul3A_100 = arith.muli %scan3A_96, %mul3A_99 : i32
      %add3A_101 = arith.constant 0 : i32
      %add3A_102 = arith.addi %mul3A_100, %add3A_101 : i32
      %dma_start3A_103 = arith.constant 0 : i32
      %dma_start3A_104 = tpu.memref_slice %arg5[%add3A_102, %dma_start3A_103] : memref<125x80xi32, #tpu.memory_space<vmem>> -> memref<1x80xi32, #tpu.memory_space<vmem>>
      %dma_start3A_105 = tpu.memref_squeeze %dma_start3A_104 : memref<1x80xi32, #tpu.memory_space<vmem>> -> memref<80xi32, #tpu.memory_space<vmem>>
      %dma_start3A_106 = arith.constant 0 : i32
      %dma_start3A_107 = arith.constant 0 : i32
      %dma_start3A_108 = tpu.memref_slice %arg3[%dma_start3A_106, %dma_start3A_107] : memref<10000x32xf32, #tpu.memory_space<hbm>> -> memref<10000x32xf32, #tpu.memory_space<hbm>>
      tpu.enqueue_indirect_dma source(%dma_start3A_108 : memref<10000x32xf32, #tpu.memory_space<hbm>>) target(%arg7 : memref<80x32xf32, #tpu.memory_space<vmem>>) offsets(%dma_start3A_105 : memref<80xi32, #tpu.memory_space<vmem>>) semaphore(%arg15 : memref<!tpu.dma_semaphore, #tpu.memory_space<semaphore_mem>>)
      %gt3A_109 = arith.constant 0 : i32
      %gt3A_110 = arith.cmpi sgt, %scan3A_96, %gt3A_109 : i32
      %convert_element_type3A_111 = arith.extui %gt3A_110 : i1 to i32
      %cond3A_112 = arith.constant 0 : i32
      %cond3A_113 = arith.cmpi ne, %convert_element_type3A_111, %cond3A_112 : i32
      scf.if %cond3A_113 {
        %mul3A_249 = arith.constant 5 : i32
        %mul3A_250 = arith.muli %scan3A_96, %mul3A_249 : i32
        %add3A_251 = arith.constant 1 : i32
        %add3A_252 = arith.addi %mul3A_250, %add3A_251 : i32
        %dma_wait3A_253 = arith.constant 0 : i32
        %dma_wait3A_254 = tpu.memref_slice %arg6[%add3A_252, %dma_wait3A_253] : memref<125x80xi32, #tpu.memory_space<vmem>> -> memref<1x80xi32, #tpu.memory_space<vmem>>
        %dma_wait3A_255 = tpu.memref_squeeze %dma_wait3A_254 : memref<1x80xi32, #tpu.memory_space<vmem>> -> memref<80xi32, #tpu.memory_space<vmem>>
        %dma_wait3A_256 = arith.constant 0 : i32
        %dma_wait3A_257 = arith.constant 0 : i32
        %dma_wait3A_258 = tpu.memref_slice %arg13[%dma_wait3A_256, %dma_wait3A_257] : memref<10240x32xf32, #tpu.memory_space<vmem_shared>> -> memref<10240x32xf32, #tpu.memory_space<vmem_shared>>
        tpu.wait_indirect_dma semaphore(%arg21 : memref<!tpu.dma_semaphore, #tpu.memory_space<semaphore_mem>>) src(%arg8 : memref<80x32xf32, #tpu.memory_space<vmem>>) dst(%dma_wait3A_258 : memref<10240x32xf32, #tpu.memory_space<vmem_shared>>)
      } else {
      }
      %mul3A_114 = arith.constant 5 : i32
      %mul3A_115 = arith.muli %scan3A_96, %mul3A_114 : i32
      %add3A_116 = arith.constant 1 : i32
      %add3A_117 = arith.addi %mul3A_115, %add3A_116 : i32
      %dma_start3A_118 = arith.constant 0 : i32
      %dma_start3A_119 = tpu.memref_slice %arg5[%add3A_117, %dma_start3A_118] : memref<125x80xi32, #tpu.memory_space<vmem>> -> memref<1x80xi32, #tpu.memory_space<vmem>>
      %dma_start3A_120 = tpu.memref_squeeze %dma_start3A_119 : memref<1x80xi32, #tpu.memory_space<vmem>> -> memref<80xi32, #tpu.memory_space<vmem>>
      %dma_start3A_121 = arith.constant 0 : i32
      %dma_start3A_122 = arith.constant 0 : i32
      %dma_start3A_123 = tpu.memref_slice %arg3[%dma_start3A_121, %dma_start3A_122] : memref<10000x32xf32, #tpu.memory_space<hbm>> -> memref<10000x32xf32, #tpu.memory_space<hbm>>
      tpu.enqueue_indirect_dma source(%dma_start3A_123 : memref<10000x32xf32, #tpu.memory_space<hbm>>) target(%arg8 : memref<80x32xf32, #tpu.memory_space<vmem>>) offsets(%dma_start3A_120 : memref<80xi32, #tpu.memory_space<vmem>>) semaphore(%arg16 : memref<!tpu.dma_semaphore, #tpu.memory_space<semaphore_mem>>)
      %gt3A_124 = arith.constant 0 : i32
      %gt3A_125 = arith.cmpi sgt, %scan3A_96, %gt3A_124 : i32
      %convert_element_type3A_126 = arith.extui %gt3A_125 : i1 to i32
      %cond3A_127 = arith.constant 0 : i32
      %cond3A_128 = arith.cmpi ne, %convert_element_type3A_126, %cond3A_127 : i32
      scf.if %cond3A_128 {
        %mul3A_249 = arith.constant 5 : i32
        %mul3A_250 = arith.muli %scan3A_96, %mul3A_249 : i32
        %add3A_251 = arith.constant 2 : i32
        %add3A_252 = arith.addi %mul3A_250, %add3A_251 : i32
        %dma_wait3A_253 = arith.constant 0 : i32
        %dma_wait3A_254 = tpu.memref_slice %arg6[%add3A_252, %dma_wait3A_253] : memref<125x80xi32, #tpu.memory_space<vmem>> -> memref<1x80xi32, #tpu.memory_space<vmem>>
        %dma_wait3A_255 = tpu.memref_squeeze %dma_wait3A_254 : memref<1x80xi32, #tpu.memory_space<vmem>> -> memref<80xi32, #tpu.memory_space<vmem>>
        %dma_wait3A_256 = arith.constant 0 : i32
        %dma_wait3A_257 = arith.constant 0 : i32
        %dma_wait3A_258 = tpu.memref_slice %arg13[%dma_wait3A_256, %dma_wait3A_257] : memref<10240x32xf32, #tpu.memory_space<vmem_shared>> -> memref<10240x32xf32, #tpu.memory_space<vmem_shared>>
        tpu.wait_indirect_dma semaphore(%arg22 : memref<!tpu.dma_semaphore, #tpu.memory_space<semaphore_mem>>) src(%arg9 : memref<80x32xf32, #tpu.memory_space<vmem>>) dst(%dma_wait3A_258 : memref<10240x32xf32, #tpu.memory_space<vmem_shared>>)
      } else {
      }
      %mul3A_129 = arith.constant 5 : i32
      %mul3A_130 = arith.muli %scan3A_96, %mul3A_129 : i32
      %add3A_131 = arith.constant 2 : i32
      %add3A_132 = arith.addi %mul3A_130, %add3A_131 : i32
      %dma_start3A_133 = arith.constant 0 : i32
      %dma_start3A_134 = tpu.memref_slice %arg5[%add3A_132, %dma_start3A_133] : memref<125x80xi32, #tpu.memory_space<vmem>> -> memref<1x80xi32, #tpu.memory_space<vmem>>
      %dma_start3A_135 = tpu.memref_squeeze %dma_start3A_134 : memref<1x80xi32, #tpu.memory_space<vmem>> -> memref<80xi32, #tpu.memory_space<vmem>>
      %dma_start3A_136 = arith.constant 0 : i32
      %dma_start3A_137 = arith.constant 0 : i32
      %dma_start3A_138 = tpu.memref_slice %arg3[%dma_start3A_136, %dma_start3A_137] : memref<10000x32xf32, #tpu.memory_space<hbm>> -> memref<10000x32xf32, #tpu.memory_space<hbm>>
      tpu.enqueue_indirect_dma source(%dma_start3A_138 : memref<10000x32xf32, #tpu.memory_space<hbm>>) target(%arg9 : memref<80x32xf32, #tpu.memory_space<vmem>>) offsets(%dma_start3A_135 : memref<80xi32, #tpu.memory_space<vmem>>) semaphore(%arg17 : memref<!tpu.dma_semaphore, #tpu.memory_space<semaphore_mem>>)
      %gt3A_139 = arith.constant 0 : i32
      %gt3A_140 = arith.cmpi sgt, %scan3A_96, %gt3A_139 : i32
      %convert_element_type3A_141 = arith.extui %gt3A_140 : i1 to i32
      %cond3A_142 = arith.constant 0 : i32
      %cond3A_143 = arith.cmpi ne, %convert_element_type3A_141, %cond3A_142 : i32
      scf.if %cond3A_143 {
        %mul3A_249 = arith.constant 5 : i32
        %mul3A_250 = arith.muli %scan3A_96, %mul3A_249 : i32
        %add3A_251 = arith.constant 3 : i32
        %add3A_252 = arith.addi %mul3A_250, %add3A_251 : i32
        %dma_wait3A_253 = arith.constant 0 : i32
        %dma_wait3A_254 = tpu.memref_slice %arg6[%add3A_252, %dma_wait3A_253] : memref<125x80xi32, #tpu.memory_space<vmem>> -> memref<1x80xi32, #tpu.memory_space<vmem>>
        %dma_wait3A_255 = tpu.memref_squeeze %dma_wait3A_254 : memref<1x80xi32, #tpu.memory_space<vmem>> -> memref<80xi32, #tpu.memory_space<vmem>>
        %dma_wait3A_256 = arith.constant 0 : i32
        %dma_wait3A_257 = arith.constant 0 : i32
        %dma_wait3A_258 = tpu.memref_slice %arg13[%dma_wait3A_256, %dma_wait3A_257] : memref<10240x32xf32, #tpu.memory_space<vmem_shared>> -> memref<10240x32xf32, #tpu.memory_space<vmem_shared>>
        tpu.wait_indirect_dma semaphore(%arg23 : memref<!tpu.dma_semaphore, #tpu.memory_space<semaphore_mem>>) src(%arg10 : memref<80x32xf32, #tpu.memory_space<vmem>>) dst(%dma_wait3A_258 : memref<10240x32xf32, #tpu.memory_space<vmem_shared>>)
      } else {
      }
      %mul3A_144 = arith.constant 5 : i32
      %mul3A_145 = arith.muli %scan3A_96, %mul3A_144 : i32
      %add3A_146 = arith.constant 3 : i32
      %add3A_147 = arith.addi %mul3A_145, %add3A_146 : i32
      %dma_start3A_148 = arith.constant 0 : i32
      %dma_start3A_149 = tpu.memref_slice %arg5[%add3A_147, %dma_start3A_148] : memref<125x80xi32, #tpu.memory_space<vmem>> -> memref<1x80xi32, #tpu.memory_space<vmem>>
      %dma_start3A_150 = tpu.memref_squeeze %dma_start3A_149 : memref<1x80xi32, #tpu.memory_space<vmem>> -> memref<80xi32, #tpu.memory_space<vmem>>
      %dma_start3A_151 = arith.constant 0 : i32
      %dma_start3A_152 = arith.constant 0 : i32
      %dma_start3A_153 = tpu.memref_slice %arg3[%dma_start3A_151, %dma_start3A_152] : memref<10000x32xf32, #tpu.memory_space<hbm>> -> memref<10000x32xf32, #tpu.memory_space<hbm>>
      tpu.enqueue_indirect_dma source(%dma_start3A_153 : memref<10000x32xf32, #tpu.memory_space<hbm>>) target(%arg10 : memref<80x32xf32, #tpu.memory_space<vmem>>) offsets(%dma_start3A_150 : memref<80xi32, #tpu.memory_space<vmem>>) semaphore(%arg18 : memref<!tpu.dma_semaphore, #tpu.memory_space<semaphore_mem>>)
      %gt3A_154 = arith.constant 0 : i32
      %gt3A_155 = arith.cmpi sgt, %scan3A_96, %gt3A_154 : i32
      %convert_element_type3A_156 = arith.extui %gt3A_155 : i1 to i32
      %cond3A_157 = arith.constant 0 : i32
      %cond3A_158 = arith.cmpi ne, %convert_element_type3A_156, %cond3A_157 : i32
      scf.if %cond3A_158 {
        %mul3A_249 = arith.constant 5 : i32
        %mul3A_250 = arith.muli %scan3A_96, %mul3A_249 : i32
        %add3A_251 = arith.constant 4 : i32
        %add3A_252 = arith.addi %mul3A_250, %add3A_251 : i32
        %dma_wait3A_253 = arith.constant 0 : i32
        %dma_wait3A_254 = tpu.memref_slice %arg6[%add3A_252, %dma_wait3A_253] : memref<125x80xi32, #tpu.memory_space<vmem>> -> memref<1x80xi32, #tpu.memory_space<vmem>>
        %dma_wait3A_255 = tpu.memref_squeeze %dma_wait3A_254 : memref<1x80xi32, #tpu.memory_space<vmem>> -> memref<80xi32, #tpu.memory_space<vmem>>
        %dma_wait3A_256 = arith.constant 0 : i32
        %dma_wait3A_257 = arith.constant 0 : i32
        %dma_wait3A_258 = tpu.memref_slice %arg13[%dma_wait3A_256, %dma_wait3A_257] : memref<10240x32xf32, #tpu.memory_space<vmem_shared>> -> memref<10240x32xf32, #tpu.memory_space<vmem_shared>>
        tpu.wait_indirect_dma semaphore(%arg24 : memref<!tpu.dma_semaphore, #tpu.memory_space<semaphore_mem>>) src(%arg11 : memref<80x32xf32, #tpu.memory_space<vmem>>) dst(%dma_wait3A_258 : memref<10240x32xf32, #tpu.memory_space<vmem_shared>>)
      } else {
      }
      %mul3A_159 = arith.constant 5 : i32
      %mul3A_160 = arith.muli %scan3A_96, %mul3A_159 : i32
      %add3A_161 = arith.constant 4 : i32
      %add3A_162 = arith.addi %mul3A_160, %add3A_161 : i32
      %dma_start3A_163 = arith.constant 0 : i32
      %dma_start3A_164 = tpu.memref_slice %arg5[%add3A_162, %dma_start3A_163] : memref<125x80xi32, #tpu.memory_space<vmem>> -> memref<1x80xi32, #tpu.memory_space<vmem>>
      %dma_start3A_165 = tpu.memref_squeeze %dma_start3A_164 : memref<1x80xi32, #tpu.memory_space<vmem>> -> memref<80xi32, #tpu.memory_space<vmem>>
      %dma_start3A_166 = arith.constant 0 : i32
      %dma_start3A_167 = arith.constant 0 : i32
      %dma_start3A_168 = tpu.memref_slice %arg3[%dma_start3A_166, %dma_start3A_167] : memref<10000x32xf32, #tpu.memory_space<hbm>> -> memref<10000x32xf32, #tpu.memory_space<hbm>>
      tpu.enqueue_indirect_dma source(%dma_start3A_168 : memref<10000x32xf32, #tpu.memory_space<hbm>>) target(%arg11 : memref<80x32xf32, #tpu.memory_space<vmem>>) offsets(%dma_start3A_165 : memref<80xi32, #tpu.memory_space<vmem>>) semaphore(%arg19 : memref<!tpu.dma_semaphore, #tpu.memory_space<semaphore_mem>>)
      %dma_wait3A_169 = arith.constant 0 : i32
      %dma_wait3A_170 = tpu.memref_slice %arg5[%add3A_102, %dma_wait3A_169] : memref<125x80xi32, #tpu.memory_space<vmem>> -> memref<1x80xi32, #tpu.memory_space<vmem>>
      %dma_wait3A_171 = tpu.memref_squeeze %dma_wait3A_170 : memref<1x80xi32, #tpu.memory_space<vmem>> -> memref<80xi32, #tpu.memory_space<vmem>>
      %dma_wait3A_172 = arith.constant 0 : i32
      %dma_wait3A_173 = arith.constant 0 : i32
      %dma_wait3A_174 = tpu.memref_slice %arg3[%dma_wait3A_172, %dma_wait3A_173] : memref<10000x32xf32, #tpu.memory_space<hbm>> -> memref<10000x32xf32, #tpu.memory_space<hbm>>
      tpu.wait_indirect_dma semaphore(%arg15 : memref<!tpu.dma_semaphore, #tpu.memory_space<semaphore_mem>>) src(%dma_wait3A_174 : memref<10000x32xf32, #tpu.memory_space<hbm>>) dst(%arg7 : memref<80x32xf32, #tpu.memory_space<vmem>>)
      %mul3A_175 = arith.constant 5 : i32
      %mul3A_176 = arith.muli %scan3A_96, %mul3A_175 : i32
      %add3A_177 = arith.constant 0 : i32
      %add3A_178 = arith.addi %mul3A_176, %add3A_177 : i32
      %dma_start3A_179 = arith.constant 0 : i32
      %dma_start3A_180 = tpu.memref_slice %arg6[%add3A_178, %dma_start3A_179] : memref<125x80xi32, #tpu.memory_space<vmem>> -> memref<1x80xi32, #tpu.memory_space<vmem>>
      %dma_start3A_181 = tpu.memref_squeeze %dma_start3A_180 : memref<1x80xi32, #tpu.memory_space<vmem>> -> memref<80xi32, #tpu.memory_space<vmem>>
      %dma_start3A_182 = arith.constant 0 : i32
      %dma_start3A_183 = arith.constant 0 : i32
      %dma_start3A_184 = tpu.memref_slice %arg13[%dma_start3A_182, %dma_start3A_183] : memref<10240x32xf32, #tpu.memory_space<vmem_shared>> -> memref<10240x32xf32, #tpu.memory_space<vmem_shared>>
      tpu.enqueue_indirect_dma source(%arg7 : memref<80x32xf32, #tpu.memory_space<vmem>>) target(%dma_start3A_184 : memref<10240x32xf32, #tpu.memory_space<vmem_shared>>) offsets(%dma_start3A_181 : memref<80xi32, #tpu.memory_space<vmem>>) semaphore(%arg20 : memref<!tpu.dma_semaphore, #tpu.memory_space<semaphore_mem>>) {add = true}
      %dma_wait3A_185 = arith.constant 0 : i32
      %dma_wait3A_186 = tpu.memref_slice %arg5[%add3A_117, %dma_wait3A_185] : memref<125x80xi32, #tpu.memory_space<vmem>> -> memref<1x80xi32, #tpu.memory_space<vmem>>
      %dma_wait3A_187 = tpu.memref_squeeze %dma_wait3A_186 : memref<1x80xi32, #tpu.memory_space<vmem>> -> memref<80xi32, #tpu.memory_space<vmem>>
      %dma_wait3A_188 = arith.constant 0 : i32
      %dma_wait3A_189 = arith.constant 0 : i32
      %dma_wait3A_190 = tpu.memref_slice %arg3[%dma_wait3A_188, %dma_wait3A_189] : memref<10000x32xf32, #tpu.memory_space<hbm>> -> memref<10000x32xf32, #tpu.memory_space<hbm>>
      tpu.wait_indirect_dma semaphore(%arg16 : memref<!tpu.dma_semaphore, #tpu.memory_space<semaphore_mem>>) src(%dma_wait3A_190 : memref<10000x32xf32, #tpu.memory_space<hbm>>) dst(%arg8 : memref<80x32xf32, #tpu.memory_space<vmem>>)
      %mul3A_191 = arith.constant 5 : i32
      %mul3A_192 = arith.muli %scan3A_96, %mul3A_191 : i32
      %add3A_193 = arith.constant 1 : i32
      %add3A_194 = arith.addi %mul3A_192, %add3A_193 : i32
      %dma_start3A_195 = arith.constant 0 : i32
      %dma_start3A_196 = tpu.memref_slice %arg6[%add3A_194, %dma_start3A_195] : memref<125x80xi32, #tpu.memory_space<vmem>> -> memref<1x80xi32, #tpu.memory_space<vmem>>
      %dma_start3A_197 = tpu.memref_squeeze %dma_start3A_196 : memref<1x80xi32, #tpu.memory_space<vmem>> -> memref<80xi32, #tpu.memory_space<vmem>>
      %dma_start3A_198 = arith.constant 0 : i32
      %dma_start3A_199 = arith.constant 0 : i32
      %dma_start3A_200 = tpu.memref_slice %arg13[%dma_start3A_198, %dma_start3A_199] : memref<10240x32xf32, #tpu.memory_space<vmem_shared>> -> memref<10240x32xf32, #tpu.memory_space<vmem_shared>>
      tpu.enqueue_indirect_dma source(%arg8 : memref<80x32xf32, #tpu.memory_space<vmem>>) target(%dma_start3A_200 : memref<10240x32xf32, #tpu.memory_space<vmem_shared>>) offsets(%dma_start3A_197 : memref<80xi32, #tpu.memory_space<vmem>>) semaphore(%arg21 : memref<!tpu.dma_semaphore, #tpu.memory_space<semaphore_mem>>) {add = true}
      %dma_wait3A_201 = arith.constant 0 : i32
      %dma_wait3A_202 = tpu.memref_slice %arg5[%add3A_132, %dma_wait3A_201] : memref<125x80xi32, #tpu.memory_space<vmem>> -> memref<1x80xi32, #tpu.memory_space<vmem>>
      %dma_wait3A_203 = tpu.memref_squeeze %dma_wait3A_202 : memref<1x80xi32, #tpu.memory_space<vmem>> -> memref<80xi32, #tpu.memory_space<vmem>>
      %dma_wait3A_204 = arith.constant 0 : i32
      %dma_wait3A_205 = arith.constant 0 : i32
      %dma_wait3A_206 = tpu.memref_slice %arg3[%dma_wait3A_204, %dma_wait3A_205] : memref<10000x32xf32, #tpu.memory_space<hbm>> -> memref<10000x32xf32, #tpu.memory_space<hbm>>
      tpu.wait_indirect_dma semaphore(%arg17 : memref<!tpu.dma_semaphore, #tpu.memory_space<semaphore_mem>>) src(%dma_wait3A_206 : memref<10000x32xf32, #tpu.memory_space<hbm>>) dst(%arg9 : memref<80x32xf32, #tpu.memory_space<vmem>>)
      %mul3A_207 = arith.constant 5 : i32
      %mul3A_208 = arith.muli %scan3A_96, %mul3A_207 : i32
      %add3A_209 = arith.constant 2 : i32
      %add3A_210 = arith.addi %mul3A_208, %add3A_209 : i32
      %dma_start3A_211 = arith.constant 0 : i32
      %dma_start3A_212 = tpu.memref_slice %arg6[%add3A_210, %dma_start3A_211] : memref<125x80xi32, #tpu.memory_space<vmem>> -> memref<1x80xi32, #tpu.memory_space<vmem>>
      %dma_start3A_213 = tpu.memref_squeeze %dma_start3A_212 : memref<1x80xi32, #tpu.memory_space<vmem>> -> memref<80xi32, #tpu.memory_space<vmem>>
      %dma_start3A_214 = arith.constant 0 : i32
      %dma_start3A_215 = arith.constant 0 : i32
      %dma_start3A_216 = tpu.memref_slice %arg13[%dma_start3A_214, %dma_start3A_215] : memref<10240x32xf32, #tpu.memory_space<vmem_shared>> -> memref<10240x32xf32, #tpu.memory_space<vmem_shared>>
      tpu.enqueue_indirect_dma source(%arg9 : memref<80x32xf32, #tpu.memory_space<vmem>>) target(%dma_start3A_216 : memref<10240x32xf32, #tpu.memory_space<vmem_shared>>) offsets(%dma_start3A_213 : memref<80xi32, #tpu.memory_space<vmem>>) semaphore(%arg22 : memref<!tpu.dma_semaphore, #tpu.memory_space<semaphore_mem>>) {add = true}
      %dma_wait3A_217 = arith.constant 0 : i32
      %dma_wait3A_218 = tpu.memref_slice %arg5[%add3A_147, %dma_wait3A_217] : memref<125x80xi32, #tpu.memory_space<vmem>> -> memref<1x80xi32, #tpu.memory_space<vmem>>
      %dma_wait3A_219 = tpu.memref_squeeze %dma_wait3A_218 : memref<1x80xi32, #tpu.memory_space<vmem>> -> memref<80xi32, #tpu.memory_space<vmem>>
      %dma_wait3A_220 = arith.constant 0 : i32
      %dma_wait3A_221 = arith.constant 0 : i32
      %dma_wait3A_222 = tpu.memref_slice %arg3[%dma_wait3A_220, %dma_wait3A_221] : memref<10000x32xf32, #tpu.memory_space<hbm>> -> memref<10000x32xf32, #tpu.memory_space<hbm>>
      tpu.wait_indirect_dma semaphore(%arg18 : memref<!tpu.dma_semaphore, #tpu.memory_space<semaphore_mem>>) src(%dma_wait3A_222 : memref<10000x32xf32, #tpu.memory_space<hbm>>) dst(%arg10 : memref<80x32xf32, #tpu.memory_space<vmem>>)
      %mul3A_223 = arith.constant 5 : i32
      %mul3A_224 = arith.muli %scan3A_96, %mul3A_223 : i32
      %add3A_225 = arith.constant 3 : i32
      %add3A_226 = arith.addi %mul3A_224, %add3A_225 : i32
      %dma_start3A_227 = arith.constant 0 : i32
      %dma_start3A_228 = tpu.memref_slice %arg6[%add3A_226, %dma_start3A_227] : memref<125x80xi32, #tpu.memory_space<vmem>> -> memref<1x80xi32, #tpu.memory_space<vmem>>
      %dma_start3A_229 = tpu.memref_squeeze %dma_start3A_228 : memref<1x80xi32, #tpu.memory_space<vmem>> -> memref<80xi32, #tpu.memory_space<vmem>>
      %dma_start3A_230 = arith.constant 0 : i32
      %dma_start3A_231 = arith.constant 0 : i32
      %dma_start3A_232 = tpu.memref_slice %arg13[%dma_start3A_230, %dma_start3A_231] : memref<10240x32xf32, #tpu.memory_space<vmem_shared>> -> memref<10240x32xf32, #tpu.memory_space<vmem_shared>>
      tpu.enqueue_indirect_dma source(%arg10 : memref<80x32xf32, #tpu.memory_space<vmem>>) target(%dma_start3A_232 : memref<10240x32xf32, #tpu.memory_space<vmem_shared>>) offsets(%dma_start3A_229 : memref<80xi32, #tpu.memory_space<vmem>>) semaphore(%arg23 : memref<!tpu.dma_semaphore, #tpu.memory_space<semaphore_mem>>) {add = true}
      %dma_wait3A_233 = arith.constant 0 : i32
      %dma_wait3A_234 = tpu.memref_slice %arg5[%add3A_162, %dma_wait3A_233] : memref<125x80xi32, #tpu.memory_space<vmem>> -> memref<1x80xi32, #tpu.memory_space<vmem>>
      %dma_wait3A_235 = tpu.memref_squeeze %dma_wait3A_234 : memref<1x80xi32, #tpu.memory_space<vmem>> -> memref<80xi32, #tpu.memory_space<vmem>>
      %dma_wait3A_236 = arith.constant 0 : i32
      %dma_wait3A_237 = arith.constant 0 : i32
      %dma_wait3A_238 = tpu.memref_slice %arg3[%dma_wait3A_236, %dma_wait3A_237] : memref<10000x32xf32, #tpu.memory_space<hbm>> -> memref<10000x32xf32, #tpu.memory_space<hbm>>
      tpu.wait_indirect_dma semaphore(%arg19 : memref<!tpu.dma_semaphore, #tpu.memory_space<semaphore_mem>>) src(%dma_wait3A_238 : memref<10000x32xf32, #tpu.memory_space<hbm>>) dst(%arg11 : memref<80x32xf32, #tpu.memory_space<vmem>>)
      %mul3A_239 = arith.constant 5 : i32
      %mul3A_240 = arith.muli %scan3A_96, %mul3A_239 : i32
      %add3A_241 = arith.constant 4 : i32
      %add3A_242 = arith.addi %mul3A_240, %add3A_241 : i32
      %dma_start3A_243 = arith.constant 0 : i32
      %dma_start3A_244 = tpu.memref_slice %arg6[%add3A_242, %dma_start3A_243] : memref<125x80xi32, #tpu.memory_space<vmem>> -> memref<1x80xi32, #tpu.memory_space<vmem>>
      %dma_start3A_245 = tpu.memref_squeeze %dma_start3A_244 : memref<1x80xi32, #tpu.memory_space<vmem>> -> memref<80xi32, #tpu.memory_space<vmem>>
      %dma_start3A_246 = arith.constant 0 : i32
      %dma_start3A_247 = arith.constant 0 : i32
      %dma_start3A_248 = tpu.memref_slice %arg13[%dma_start3A_246, %dma_start3A_247] : memref<10240x32xf32, #tpu.memory_space<vmem_shared>> -> memref<10240x32xf32, #tpu.memory_space<vmem_shared>>
      tpu.enqueue_indirect_dma source(%arg11 : memref<80x32xf32, #tpu.memory_space<vmem>>) target(%dma_start3A_248 : memref<10240x32xf32, #tpu.memory_space<vmem_shared>>) offsets(%dma_start3A_245 : memref<80xi32, #tpu.memory_space<vmem>>) semaphore(%arg24 : memref<!tpu.dma_semaphore, #tpu.memory_space<semaphore_mem>>) {add = true}
    }
    %scan3A_51 = arith.constant 25 : i32
    %dma_wait3A_52 = arith.constant 0 : i32
    %dma_wait3A_53 = arith.constant 0 : i32
    %dma_wait3A_54 = tpu.memref_slice %arg6[%dma_wait3A_52, %dma_wait3A_53] : memref<125x80xi32, #tpu.memory_space<vmem>> -> memref<1x80xi32, #tpu.memory_space<vmem>>
    %dma_wait3A_55 = tpu.memref_squeeze %dma_wait3A_54 : memref<1x80xi32, #tpu.memory_space<vmem>> -> memref<80xi32, #tpu.memory_space<vmem>>
    %dma_wait3A_56 = arith.constant 0 : i32
    %dma_wait3A_57 = arith.constant 0 : i32
    %dma_wait3A_58 = tpu.memref_slice %arg13[%dma_wait3A_56, %dma_wait3A_57] : memref<10240x32xf32, #tpu.memory_space<vmem_shared>> -> memref<10240x32xf32, #tpu.memory_space<vmem_shared>>
    tpu.wait_indirect_dma semaphore(%arg20 : memref<!tpu.dma_semaphore, #tpu.memory_space<semaphore_mem>>) src(%arg7 : memref<80x32xf32, #tpu.memory_space<vmem>>) dst(%dma_wait3A_58 : memref<10240x32xf32, #tpu.memory_space<vmem_shared>>)
    %dma_wait3A_59 = arith.constant 1 : i32
    %dma_wait3A_60 = arith.constant 0 : i32
    %dma_wait3A_61 = tpu.memref_slice %arg6[%dma_wait3A_59, %dma_wait3A_60] : memref<125x80xi32, #tpu.memory_space<vmem>> -> memref<1x80xi32, #tpu.memory_space<vmem>>
    %dma_wait3A_62 = tpu.memref_squeeze %dma_wait3A_61 : memref<1x80xi32, #tpu.memory_space<vmem>> -> memref<80xi32, #tpu.memory_space<vmem>>
    %dma_wait3A_63 = arith.constant 0 : i32
    %dma_wait3A_64 = arith.constant 0 : i32
    %dma_wait3A_65 = tpu.memref_slice %arg13[%dma_wait3A_63, %dma_wait3A_64] : memref<10240x32xf32, #tpu.memory_space<vmem_shared>> -> memref<10240x32xf32, #tpu.memory_space<vmem_shared>>
    tpu.wait_indirect_dma semaphore(%arg21 : memref<!tpu.dma_semaphore, #tpu.memory_space<semaphore_mem>>) src(%arg8 : memref<80x32xf32, #tpu.memory_space<vmem>>) dst(%dma_wait3A_65 : memref<10240x32xf32, #tpu.memory_space<vmem_shared>>)
    %dma_wait3A_66 = arith.constant 2 : i32
    %dma_wait3A_67 = arith.constant 0 : i32
    %dma_wait3A_68 = tpu.memref_slice %arg6[%dma_wait3A_66, %dma_wait3A_67] : memref<125x80xi32, #tpu.memory_space<vmem>> -> memref<1x80xi32, #tpu.memory_space<vmem>>
    %dma_wait3A_69 = tpu.memref_squeeze %dma_wait3A_68 : memref<1x80xi32, #tpu.memory_space<vmem>> -> memref<80xi32, #tpu.memory_space<vmem>>
    %dma_wait3A_70 = arith.constant 0 : i32
    %dma_wait3A_71 = arith.constant 0 : i32
    %dma_wait3A_72 = tpu.memref_slice %arg13[%dma_wait3A_70, %dma_wait3A_71] : memref<10240x32xf32, #tpu.memory_space<vmem_shared>> -> memref<10240x32xf32, #tpu.memory_space<vmem_shared>>
    tpu.wait_indirect_dma semaphore(%arg22 : memref<!tpu.dma_semaphore, #tpu.memory_space<semaphore_mem>>) src(%arg9 : memref<80x32xf32, #tpu.memory_space<vmem>>) dst(%dma_wait3A_72 : memref<10240x32xf32, #tpu.memory_space<vmem_shared>>)
    %dma_wait3A_73 = arith.constant 3 : i32
    %dma_wait3A_74 = arith.constant 0 : i32
    %dma_wait3A_75 = tpu.memref_slice %arg6[%dma_wait3A_73, %dma_wait3A_74] : memref<125x80xi32, #tpu.memory_space<vmem>> -> memref<1x80xi32, #tpu.memory_space<vmem>>
    %dma_wait3A_76 = tpu.memref_squeeze %dma_wait3A_75 : memref<1x80xi32, #tpu.memory_space<vmem>> -> memref<80xi32, #tpu.memory_space<vmem>>
    %dma_wait3A_77 = arith.constant 0 : i32
    %dma_wait3A_78 = arith.constant 0 : i32
    %dma_wait3A_79 = tpu.memref_slice %arg13[%dma_wait3A_77, %dma_wait3A_78] : memref<10240x32xf32, #tpu.memory_space<vmem_shared>> -> memref<10240x32xf32, #tpu.memory_space<vmem_shared>>
    tpu.wait_indirect_dma semaphore(%arg23 : memref<!tpu.dma_semaphore, #tpu.memory_space<semaphore_mem>>) src(%arg10 : memref<80x32xf32, #tpu.memory_space<vmem>>) dst(%dma_wait3A_79 : memref<10240x32xf32, #tpu.memory_space<vmem_shared>>)
    %dma_wait3A_80 = arith.constant 4 : i32
    %dma_wait3A_81 = arith.constant 0 : i32
    %dma_wait3A_82 = tpu.memref_slice %arg6[%dma_wait3A_80, %dma_wait3A_81] : memref<125x80xi32, #tpu.memory_space<vmem>> -> memref<1x80xi32, #tpu.memory_space<vmem>>
    %dma_wait3A_83 = tpu.memref_squeeze %dma_wait3A_82 : memref<1x80xi32, #tpu.memory_space<vmem>> -> memref<80xi32, #tpu.memory_space<vmem>>
    %dma_wait3A_84 = arith.constant 0 : i32
    %dma_wait3A_85 = arith.constant 0 : i32
    %dma_wait3A_86 = tpu.memref_slice %arg13[%dma_wait3A_84, %dma_wait3A_85] : memref<10240x32xf32, #tpu.memory_space<vmem_shared>> -> memref<10240x32xf32, #tpu.memory_space<vmem_shared>>
    tpu.wait_indirect_dma semaphore(%arg24 : memref<!tpu.dma_semaphore, #tpu.memory_space<semaphore_mem>>) src(%arg11 : memref<80x32xf32, #tpu.memory_space<vmem>>) dst(%dma_wait3A_86 : memref<10240x32xf32, #tpu.memory_space<vmem_shared>>)
    %barrier3A_87 = arith.constant 0 : index
    tpu.barrier barrier_id(%barrier3A_87)
    %mul3A_88 = arith.constant 10240 : i32
    %mul3A_89 = arith.muli %arg0, %mul3A_88 : i32
    %add3A_90 = arith.addi %mul3A_89, %mul3A_24 : i32
    %scan3A_91 = arith.constant 0 : i32
    %scan3A_92 = arith.constant 5 : i32
    %scan3A_93 = arith.addi %scan3A_91, %scan3A_92 : i32
    %scan3A_94 = arith.constant 1 : i32
    scf.for %scan3A_96 = %scan3A_91 to %scan3A_93 step %scan3A_94  : i32 {
      %mul3A_97 = arith.constant 128 : i32
      %mul3A_98 = arith.muli %scan3A_96, %mul3A_97 : i32
      %add3A_99 = arith.addi %mul3A_24, %mul3A_98 : i32
      "tpu.region"() ({
        %run_scoped3A = tpu.sem_alloc : memref<!tpu.dma_semaphore, #tpu.memory_space<semaphore_mem>>
        %dma_start3A_103 = arith.constant 0 : i32
        %dma_start3A_104 = arith.constant 0 : i32
        %dma_start3A_105 = tpu.memref_slice %arg12[%dma_start3A_103, %dma_start3A_104] : memref<128x128xf32, #tpu.memory_space<vmem>> -> memref<128x32xf32, #tpu.memory_space<vmem>>
        %dma_start3A_106 = arith.constant 0 : i32
        %dma_start3A_107 = tpu.memref_slice %arg13[%add3A_99, %dma_start3A_106] : memref<10240x32xf32, #tpu.memory_space<vmem_shared>> -> memref<128x32xf32, #tpu.memory_space<vmem_shared>>
        %dma_start3A_108 = arith.constant 0 : i32
        %dma_start3A_109 = arith.constant 0 : i32
        %dma_start3A_110 = tpu.memref_slice %arg12[%dma_start3A_108, %dma_start3A_109] : memref<128x128xf32, #tpu.memory_space<vmem>> -> memref<128x32xf32, #tpu.memory_space<vmem>>
        %dma_start3A_111 = arith.constant 0 : i32
        %dma_start3A_112 = tpu.memref_slice %arg13[%add3A_99, %dma_start3A_111] : memref<10240x32xf32, #tpu.memory_space<vmem_shared>> -> memref<128x32xf32, #tpu.memory_space<vmem_shared>>
        tpu.enqueue_dma source(%dma_start3A_112 : memref<128x32xf32, #tpu.memory_space<vmem_shared>>) target(%dma_start3A_110 : memref<128x32xf32, #tpu.memory_space<vmem>>) target_semaphore(%run_scoped3A : memref<!tpu.dma_semaphore, #tpu.memory_space<semaphore_mem>>)
        %dma_wait3A_113 = arith.constant 0 : i32
        %dma_wait3A_114 = arith.constant 0 : i32
        %dma_wait3A_115 = tpu.memref_slice %arg12[%dma_wait3A_113, %dma_wait3A_114] : memref<128x128xf32, #tpu.memory_space<vmem>> -> memref<128x32xf32, #tpu.memory_space<vmem>>
        %dma_wait3A_116 = arith.constant 0 : i32
        %dma_wait3A_117 = tpu.memref_slice %arg13[%add3A_99, %dma_wait3A_116] : memref<10240x32xf32, #tpu.memory_space<vmem_shared>> -> memref<128x32xf32, #tpu.memory_space<vmem_shared>>
        %dma_wait3A_118 = arith.constant 0 : i32
        %dma_wait3A_119 = arith.constant 0 : i32
        %dma_wait3A_120 = tpu.memref_slice %arg12[%dma_wait3A_118, %dma_wait3A_119] : memref<128x128xf32, #tpu.memory_space<vmem>> -> memref<128x32xf32, #tpu.memory_space<vmem>>
        %dma_wait3A_121 = arith.constant 0 : i32
        %dma_wait3A_122 = tpu.memref_slice %arg13[%add3A_99, %dma_wait3A_121] : memref<10240x32xf32, #tpu.memory_space<vmem_shared>> -> memref<128x32xf32, #tpu.memory_space<vmem_shared>>
        tpu.wait_dma2 semaphore(%run_scoped3A : memref<!tpu.dma_semaphore, #tpu.memory_space<semaphore_mem>>) src(%dma_wait3A_122 : memref<128x32xf32, #tpu.memory_space<vmem_shared>>) dst(%dma_wait3A_120 : memref<128x32xf32, #tpu.memory_space<vmem>>)
        tpu.yield
      }) : () -> ()
      %mul3A_100 = arith.constant 128 : i32
      %mul3A_101 = arith.muli %scan3A_96, %mul3A_100 : i32
      %add3A_102 = arith.addi %add3A_90, %mul3A_101 : i32
      "tpu.region"() ({
        %run_scoped3A = tpu.sem_alloc : memref<!tpu.dma_semaphore, #tpu.memory_space<semaphore_mem>>
        %dma_start3A_103 = arith.constant 0 : i32
        %dma_start3A_104 = tpu.memref_slice %arg4[%add3A_102, %dma_start3A_103] : memref<20480x128xf32, #tpu.memory_space<hbm>> -> memref<128x128xf32, #tpu.memory_space<hbm>>
        %dma_start3A_105 = arith.constant 0 : i32
        %dma_start3A_106 = tpu.memref_slice %arg4[%add3A_102, %dma_start3A_105] : memref<20480x128xf32, #tpu.memory_space<hbm>> -> memref<128x128xf32, #tpu.memory_space<hbm>>
        tpu.enqueue_dma source(%arg12 : memref<128x128xf32, #tpu.memory_space<vmem>>) target(%dma_start3A_106 : memref<128x128xf32, #tpu.memory_space<hbm>>) target_semaphore(%run_scoped3A : memref<!tpu.dma_semaphore, #tpu.memory_space<semaphore_mem>>)
        %dma_wait3A_107 = arith.constant 0 : i32
        %dma_wait3A_108 = tpu.memref_slice %arg4[%add3A_102, %dma_wait3A_107] : memref<20480x128xf32, #tpu.memory_space<hbm>> -> memref<128x128xf32, #tpu.memory_space<hbm>>
        %dma_wait3A_109 = arith.constant 0 : i32
        %dma_wait3A_110 = tpu.memref_slice %arg4[%add3A_102, %dma_wait3A_109] : memref<20480x128xf32, #tpu.memory_space<hbm>> -> memref<128x128xf32, #tpu.memory_space<hbm>>
        tpu.wait_dma2 semaphore(%run_scoped3A : memref<!tpu.dma_semaphore, #tpu.memory_space<semaphore_mem>>) src(%arg12 : memref<128x128xf32, #tpu.memory_space<vmem>>) dst(%dma_wait3A_110 : memref<128x128xf32, #tpu.memory_space<hbm>>)
        tpu.yield
      }) : () -> ()
    }
    %scan3A_95 = arith.constant 5 : i32
    return
  }
}

#map = affine_map<(d0, d1) -> (0, 0, 0, 0)>
#map1 = affine_map<(d0, d1) -> (0, 0)>
module attributes {stable_mosaic.version = 14 : i64} {
  func.func @seg(%arg0: i32, %arg1: i32, %arg2: memref<2x32x125x80xi32, #tpu.memory_space<hbm>>, %arg3: memref<10000x72xf32, #tpu.memory_space<hbm>>, %arg4: memref<20480x128xf32, #tpu.memory_space<hbm>>, %arg5: memref<125x80xi32, #tpu.memory_space<vmem>>, %arg6: memref<125x80xi32, #tpu.memory_space<vmem>>, %arg7: memref<80x72xf32, #tpu.memory_space<vmem>>, %arg8: memref<80x72xf32, #tpu.memory_space<vmem>>, %arg9: memref<80x72xf32, #tpu.memory_space<vmem>>, %arg10: memref<80x72xf32, #tpu.memory_space<vmem>>, %arg11: memref<80x72xf32, #tpu.memory_space<vmem>>, %arg12: memref<128x128xf32, #tpu.memory_space<vmem>>, %arg13: memref<10240x72xf32, #tpu.memory_space<vmem_shared>>, %arg14: memref<!tpu.dma_semaphore, #tpu.memory_space<semaphore_mem>>, %arg15: memref<!tpu.dma_semaphore, #tpu.memory_space<semaphore_mem>>, %arg16: memref<!tpu.dma_semaphore, #tpu.memory_space<semaphore_mem>>, %arg17: memref<!tpu.dma_semaphore, #tpu.memory_space<semaphore_mem>>, %arg18: memref<!tpu.dma_semaphore, #tpu.memory_space<semaphore_mem>>, %arg19: memref<!tpu.dma_semaphore, #tpu.memory_space<semaphore_mem>>, %arg20: memref<!tpu.dma_semaphore, #tpu.memory_space<semaphore_mem>>, %arg21: memref<!tpu.dma_semaphore, #tpu.memory_space<semaphore_mem>>, %arg22: memref<!tpu.dma_semaphore, #tpu.memory_space<semaphore_mem>>, %arg23: memref<!tpu.dma_semaphore, #tpu.memory_space<semaphore_mem>>, %arg24: memref<!tpu.dma_semaphore, #tpu.memory_space<semaphore_mem>>) attributes {dimension_semantics = [#tpu.dimension_semantics<core_parallel>, #tpu.dimension_semantics<subcore_parallel>], iteration_bounds = array<i64: 2, 16>, scalar_prefetch = 0 : i64, scratch_operands = 20 : i64, tpu.core_type = #tpu.core_type<sc_vector_subcore>, window_params = [{transform_indices = #map}, {transform_indices = #map1}, {transform_indices = #map1}]} {
    %mul3A = arith.constant 16 : i32
    %mul3A_0 = arith.muli %arg0, %mul3A : i32
    %add3A = arith.addi %mul3A_0, %arg1 : i32
    %dma_start3A = arith.constant 0 : i32
    %dma_start3A_1 = arith.constant 0 : i32
    %dma_start3A_2 = arith.constant 0 : i32
    %dma_start3A_3 = tpu.memref_slice %arg2[%dma_start3A, %add3A, %dma_start3A_1, %dma_start3A_2] : memref<2x32x125x80xi32, #tpu.memory_space<hbm>> -> memref<1x1x125x80xi32, #tpu.memory_space<hbm>>
    %dma_start3A_4 = tpu.memref_squeeze %dma_start3A_3 : memref<1x1x125x80xi32, #tpu.memory_space<hbm>> -> memref<125x80xi32, #tpu.memory_space<hbm>>
    %dma_start3A_5 = arith.constant 0 : i32
    %dma_start3A_6 = arith.constant 0 : i32
    %dma_start3A_7 = tpu.memref_slice %arg2[%dma_start3A, %add3A, %dma_start3A_5, %dma_start3A_6] : memref<2x32x125x80xi32, #tpu.memory_space<hbm>> -> memref<1x1x125x80xi32, #tpu.memory_space<hbm>>
    %dma_start3A_8 = tpu.memref_squeeze %dma_start3A_7 : memref<1x1x125x80xi32, #tpu.memory_space<hbm>> -> memref<125x80xi32, #tpu.memory_space<hbm>>
    tpu.enqueue_dma source(%dma_start3A_8 : memref<125x80xi32, #tpu.memory_space<hbm>>) target(%arg5 : memref<125x80xi32, #tpu.memory_space<vmem>>) target_semaphore(%arg14 : memref<!tpu.dma_semaphore, #tpu.memory_space<semaphore_mem>>)
    %dma_start3A_9 = arith.constant 1 : i32
    %dma_start3A_10 = arith.constant 0 : i32
    %dma_start3A_11 = arith.constant 0 : i32
    %dma_start3A_12 = tpu.memref_slice %arg2[%dma_start3A_9, %add3A, %dma_start3A_10, %dma_start3A_11] : memref<2x32x125x80xi32, #tpu.memory_space<hbm>> -> memref<1x1x125x80xi32, #tpu.memory_space<hbm>>
    %dma_start3A_13 = tpu.memref_squeeze %dma_start3A_12 : memref<1x1x125x80xi32, #tpu.memory_space<hbm>> -> memref<125x80xi32, #tpu.memory_space<hbm>>
    %dma_start3A_14 = arith.constant 0 : i32
    %dma_start3A_15 = arith.constant 0 : i32
    %dma_start3A_16 = tpu.memref_slice %arg2[%dma_start3A_9, %add3A, %dma_start3A_14, %dma_start3A_15] : memref<2x32x125x80xi32, #tpu.memory_space<hbm>> -> memref<1x1x125x80xi32, #tpu.memory_space<hbm>>
    %dma_start3A_17 = tpu.memref_squeeze %dma_start3A_16 : memref<1x1x125x80xi32, #tpu.memory_space<hbm>> -> memref<125x80xi32, #tpu.memory_space<hbm>>
    tpu.enqueue_dma source(%dma_start3A_17 : memref<125x80xi32, #tpu.memory_space<hbm>>) target(%arg6 : memref<125x80xi32, #tpu.memory_space<vmem>>) target_semaphore(%arg14 : memref<!tpu.dma_semaphore, #tpu.memory_space<semaphore_mem>>)
    %broadcast_in_dim3A = arith.constant 0.000000e+00 : f32
    %broadcast_in_dim3A_18 = vector.broadcast %broadcast_in_dim3A : f32 to vector<16xf32>
    %scan3A = arith.constant 0 : i32
    %scan3A_19 = arith.constant 128 : i32
    %scan3A_20 = arith.addi %scan3A, %scan3A_19 : i32
    %scan3A_21 = arith.constant 1 : i32
    scf.for %scan3A_96 = %scan3A to %scan3A_20 step %scan3A_21  : i32 {
      %swap3A = arith.index_cast %scan3A_96 : i32 to index
      %swap3A_97 = arith.constant 0 : index
      %swap3A_98 = tpu.vector_load %arg12[%swap3A, %swap3A_97] {strides = array<i32>} : memref<128x128xf32, #tpu.memory_space<vmem>>, vector<1x16xf32>,
      %swap3A_99 = vector.shape_cast %swap3A_98 : vector<1x16xf32> to vector<16xf32>
      %swap3A_100 = vector.shape_cast %broadcast_in_dim3A_18 : vector<16xf32> to vector<1x16xf32>
      tpu.vector_store %arg12[%swap3A, %swap3A_97], %swap3A_100 {strides = array<i32>} : memref<128x128xf32, #tpu.memory_space<vmem>>, vector<1x16xf32>,
      %swap3A_101 = arith.index_cast %scan3A_96 : i32 to index
      %swap3A_102 = arith.constant 16 : index
      %swap3A_103 = tpu.vector_load %arg12[%swap3A_101, %swap3A_102] {strides = array<i32>} : memref<128x128xf32, #tpu.memory_space<vmem>>, vector<1x16xf32>,
      %swap3A_104 = vector.shape_cast %swap3A_103 : vector<1x16xf32> to vector<16xf32>
      %swap3A_105 = vector.shape_cast %broadcast_in_dim3A_18 : vector<16xf32> to vector<1x16xf32>
      tpu.vector_store %arg12[%swap3A_101, %swap3A_102], %swap3A_105 {strides = array<i32>} : memref<128x128xf32, #tpu.memory_space<vmem>>, vector<1x16xf32>,
      %swap3A_106 = arith.index_cast %scan3A_96 : i32 to index
      %swap3A_107 = arith.constant 32 : index
      %swap3A_108 = tpu.vector_load %arg12[%swap3A_106, %swap3A_107] {strides = array<i32>} : memref<128x128xf32, #tpu.memory_space<vmem>>, vector<1x16xf32>,
      %swap3A_109 = vector.shape_cast %swap3A_108 : vector<1x16xf32> to vector<16xf32>
      %swap3A_110 = vector.shape_cast %broadcast_in_dim3A_18 : vector<16xf32> to vector<1x16xf32>
      tpu.vector_store %arg12[%swap3A_106, %swap3A_107], %swap3A_110 {strides = array<i32>} : memref<128x128xf32, #tpu.memory_space<vmem>>, vector<1x16xf32>,
      %swap3A_111 = arith.index_cast %scan3A_96 : i32 to index
      %swap3A_112 = arith.constant 48 : index
      %swap3A_113 = tpu.vector_load %arg12[%swap3A_111, %swap3A_112] {strides = array<i32>} : memref<128x128xf32, #tpu.memory_space<vmem>>, vector<1x16xf32>,
      %swap3A_114 = vector.shape_cast %swap3A_113 : vector<1x16xf32> to vector<16xf32>
      %swap3A_115 = vector.shape_cast %broadcast_in_dim3A_18 : vector<16xf32> to vector<1x16xf32>
      tpu.vector_store %arg12[%swap3A_111, %swap3A_112], %swap3A_115 {strides = array<i32>} : memref<128x128xf32, #tpu.memory_space<vmem>>, vector<1x16xf32>,
      %swap3A_116 = arith.index_cast %scan3A_96 : i32 to index
      %swap3A_117 = arith.constant 64 : index
      %swap3A_118 = tpu.vector_load %arg12[%swap3A_116, %swap3A_117] {strides = array<i32>} : memref<128x128xf32, #tpu.memory_space<vmem>>, vector<1x16xf32>,
      %swap3A_119 = vector.shape_cast %swap3A_118 : vector<1x16xf32> to vector<16xf32>
      %swap3A_120 = vector.shape_cast %broadcast_in_dim3A_18 : vector<16xf32> to vector<1x16xf32>
      tpu.vector_store %arg12[%swap3A_116, %swap3A_117], %swap3A_120 {strides = array<i32>} : memref<128x128xf32, #tpu.memory_space<vmem>>, vector<1x16xf32>,
      %swap3A_121 = arith.index_cast %scan3A_96 : i32 to index
      %swap3A_122 = arith.constant 80 : index
      %swap3A_123 = tpu.vector_load %arg12[%swap3A_121, %swap3A_122] {strides = array<i32>} : memref<128x128xf32, #tpu.memory_space<vmem>>, vector<1x16xf32>,
      %swap3A_124 = vector.shape_cast %swap3A_123 : vector<1x16xf32> to vector<16xf32>
      %swap3A_125 = vector.shape_cast %broadcast_in_dim3A_18 : vector<16xf32> to vector<1x16xf32>
      tpu.vector_store %arg12[%swap3A_121, %swap3A_122], %swap3A_125 {strides = array<i32>} : memref<128x128xf32, #tpu.memory_space<vmem>>, vector<1x16xf32>,
      %swap3A_126 = arith.index_cast %scan3A_96 : i32 to index
      %swap3A_127 = arith.constant 96 : index
      %swap3A_128 = tpu.vector_load %arg12[%swap3A_126, %swap3A_127] {strides = array<i32>} : memref<128x128xf32, #tpu.memory_space<vmem>>, vector<1x16xf32>,
      %swap3A_129 = vector.shape_cast %swap3A_128 : vector<1x16xf32> to vector<16xf32>
      %swap3A_130 = vector.shape_cast %broadcast_in_dim3A_18 : vector<16xf32> to vector<1x16xf32>
      tpu.vector_store %arg12[%swap3A_126, %swap3A_127], %swap3A_130 {strides = array<i32>} : memref<128x128xf32, #tpu.memory_space<vmem>>, vector<1x16xf32>,
      %swap3A_131 = arith.index_cast %scan3A_96 : i32 to index
      %swap3A_132 = arith.constant 112 : index
      %swap3A_133 = tpu.vector_load %arg12[%swap3A_131, %swap3A_132] {strides = array<i32>} : memref<128x128xf32, #tpu.memory_space<vmem>>, vector<1x16xf32>,
      %swap3A_134 = vector.shape_cast %swap3A_133 : vector<1x16xf32> to vector<16xf32>
      %swap3A_135 = vector.shape_cast %broadcast_in_dim3A_18 : vector<16xf32> to vector<1x16xf32>
      tpu.vector_store %arg12[%swap3A_131, %swap3A_132], %swap3A_135 {strides = array<i32>} : memref<128x128xf32, #tpu.memory_space<vmem>>, vector<1x16xf32>,
    }
    %scan3A_22 = arith.constant 128 : i32
    %mul3A_23 = arith.constant 640 : i32
    %mul3A_24 = arith.muli %arg1, %mul3A_23 : i32
    %scan3A_25 = arith.constant 0 : i32
    %scan3A_26 = arith.constant 5 : i32
    %scan3A_27 = arith.addi %scan3A_25, %scan3A_26 : i32
    %scan3A_28 = arith.constant 1 : i32
    scf.for %scan3A_96 = %scan3A_25 to %scan3A_27 step %scan3A_28  : i32 {
      %mul3A_97 = arith.constant 128 : i32
      %mul3A_98 = arith.muli %scan3A_96, %mul3A_97 : i32
      %add3A_99 = arith.addi %mul3A_24, %mul3A_98 : i32
      "tpu.region"() ({
        %run_scoped3A = tpu.sem_alloc : memref<!tpu.dma_semaphore, #tpu.memory_space<semaphore_mem>>
        %dma_start3A_100 = arith.constant 0 : i32
        %dma_start3A_101 = arith.constant 0 : i32
        %dma_start3A_102 = tpu.memref_slice %arg12[%dma_start3A_100, %dma_start3A_101] : memref<128x128xf32, #tpu.memory_space<vmem>> -> memref<128x72xf32, #tpu.memory_space<vmem>>
        %dma_start3A_103 = arith.constant 0 : i32
        %dma_start3A_104 = tpu.memref_slice %arg13[%add3A_99, %dma_start3A_103] : memref<10240x72xf32, #tpu.memory_space<vmem_shared>> -> memref<128x72xf32, #tpu.memory_space<vmem_shared>>
        %dma_start3A_105 = arith.constant 0 : i32
        %dma_start3A_106 = tpu.memref_slice %arg13[%add3A_99, %dma_start3A_105] : memref<10240x72xf32, #tpu.memory_space<vmem_shared>> -> memref<128x72xf32, #tpu.memory_space<vmem_shared>>
        %dma_start3A_107 = arith.constant 0 : i32
        %dma_start3A_108 = arith.constant 0 : i32
        %dma_start3A_109 = tpu.memref_slice %arg12[%dma_start3A_107, %dma_start3A_108] : memref<128x128xf32, #tpu.memory_space<vmem>> -> memref<128x72xf32, #tpu.memory_space<vmem>>
        tpu.enqueue_dma source(%dma_start3A_109 : memref<128x72xf32, #tpu.memory_space<vmem>>) target(%dma_start3A_106 : memref<128x72xf32, #tpu.memory_space<vmem_shared>>) target_semaphore(%run_scoped3A : memref<!tpu.dma_semaphore, #tpu.memory_space<semaphore_mem>>)
        %dma_wait3A_110 = arith.constant 0 : i32
        %dma_wait3A_111 = arith.constant 0 : i32
        %dma_wait3A_112 = tpu.memref_slice %arg12[%dma_wait3A_110, %dma_wait3A_111] : memref<128x128xf32, #tpu.memory_space<vmem>> -> memref<128x72xf32, #tpu.memory_space<vmem>>
        %dma_wait3A_113 = arith.constant 0 : i32
        %dma_wait3A_114 = tpu.memref_slice %arg13[%add3A_99, %dma_wait3A_113] : memref<10240x72xf32, #tpu.memory_space<vmem_shared>> -> memref<128x72xf32, #tpu.memory_space<vmem_shared>>
        %dma_wait3A_115 = arith.constant 0 : i32
        %dma_wait3A_116 = tpu.memref_slice %arg13[%add3A_99, %dma_wait3A_115] : memref<10240x72xf32, #tpu.memory_space<vmem_shared>> -> memref<128x72xf32, #tpu.memory_space<vmem_shared>>
        %dma_wait3A_117 = arith.constant 0 : i32
        %dma_wait3A_118 = arith.constant 0 : i32
        %dma_wait3A_119 = tpu.memref_slice %arg12[%dma_wait3A_117, %dma_wait3A_118] : memref<128x128xf32, #tpu.memory_space<vmem>> -> memref<128x72xf32, #tpu.memory_space<vmem>>
        tpu.wait_dma2 semaphore(%run_scoped3A : memref<!tpu.dma_semaphore, #tpu.memory_space<semaphore_mem>>) src(%dma_wait3A_119 : memref<128x72xf32, #tpu.memory_space<vmem>>) dst(%dma_wait3A_116 : memref<128x72xf32, #tpu.memory_space<vmem_shared>>)
        tpu.yield
      }) : () -> ()
    }
    %scan3A_29 = arith.constant 5 : i32
    %dma_wait3A = arith.constant 0 : i32
    %dma_wait3A_30 = arith.constant 0 : i32
    %dma_wait3A_31 = arith.constant 0 : i32
    %dma_wait3A_32 = tpu.memref_slice %arg2[%dma_wait3A, %add3A, %dma_wait3A_30, %dma_wait3A_31] : memref<2x32x125x80xi32, #tpu.memory_space<hbm>> -> memref<1x1x125x80xi32, #tpu.memory_space<hbm>>
    %dma_wait3A_33 = tpu.memref_squeeze %dma_wait3A_32 : memref<1x1x125x80xi32, #tpu.memory_space<hbm>> -> memref<125x80xi32, #tpu.memory_space<hbm>>
    %dma_wait3A_34 = arith.constant 0 : i32
    %dma_wait3A_35 = arith.constant 0 : i32
    %dma_wait3A_36 = tpu.memref_slice %arg2[%dma_wait3A, %add3A, %dma_wait3A_34, %dma_wait3A_35] : memref<2x32x125x80xi32, #tpu.memory_space<hbm>> -> memref<1x1x125x80xi32, #tpu.memory_space<hbm>>
    %dma_wait3A_37 = tpu.memref_squeeze %dma_wait3A_36 : memref<1x1x125x80xi32, #tpu.memory_space<hbm>> -> memref<125x80xi32, #tpu.memory_space<hbm>>
    tpu.wait_dma2 semaphore(%arg14 : memref<!tpu.dma_semaphore, #tpu.memory_space<semaphore_mem>>) src(%dma_wait3A_37 : memref<125x80xi32, #tpu.memory_space<hbm>>) dst(%arg5 : memref<125x80xi32, #tpu.memory_space<vmem>>)
    %dma_wait3A_38 = arith.constant 1 : i32
    %dma_wait3A_39 = arith.constant 0 : i32
    %dma_wait3A_40 = arith.constant 0 : i32
    %dma_wait3A_41 = tpu.memref_slice %arg2[%dma_wait3A_38, %add3A, %dma_wait3A_39, %dma_wait3A_40] : memref<2x32x125x80xi32, #tpu.memory_space<hbm>> -> memref<1x1x125x80xi32, #tpu.memory_space<hbm>>
    %dma_wait3A_42 = tpu.memref_squeeze %dma_wait3A_41 : memref<1x1x125x80xi32, #tpu.memory_space<hbm>> -> memref<125x80xi32, #tpu.memory_space<hbm>>
    %dma_wait3A_43 = arith.constant 0 : i32
    %dma_wait3A_44 = arith.constant 0 : i32
    %dma_wait3A_45 = tpu.memref_slice %arg2[%dma_wait3A_38, %add3A, %dma_wait3A_43, %dma_wait3A_44] : memref<2x32x125x80xi32, #tpu.memory_space<hbm>> -> memref<1x1x125x80xi32, #tpu.memory_space<hbm>>
    %dma_wait3A_46 = tpu.memref_squeeze %dma_wait3A_45 : memref<1x1x125x80xi32, #tpu.memory_space<hbm>> -> memref<125x80xi32, #tpu.memory_space<hbm>>
    tpu.wait_dma2 semaphore(%arg14 : memref<!tpu.dma_semaphore, #tpu.memory_space<semaphore_mem>>) src(%dma_wait3A_46 : memref<125x80xi32, #tpu.memory_space<hbm>>) dst(%arg6 : memref<125x80xi32, #tpu.memory_space<vmem>>)
    %barrier3A = arith.constant 0 : index
    tpu.barrier barrier_id(%barrier3A)
    %scan3A_47 = arith.constant 0 : i32
    %scan3A_48 = arith.constant 25 : i32
    %scan3A_49 = arith.addi %scan3A_47, %scan3A_48 : i32
    %scan3A_50 = arith.constant 1 : i32
    scf.for %scan3A_96 = %scan3A_47 to %scan3A_49 step %scan3A_50  : i32 {
      %gt3A = arith.constant 0 : i32
      %gt3A_97 = arith.cmpi sgt, %scan3A_96, %gt3A : i32
      %convert_element_type3A = arith.extui %gt3A_97 : i1 to i32
      %cond3A = arith.constant 0 : i32
      %cond3A_98 = arith.cmpi ne, %convert_element_type3A, %cond3A : i32
      scf.if %cond3A_98 {
        %mul3A_249 = arith.constant 5 : i32
        %mul3A_250 = arith.muli %scan3A_96, %mul3A_249 : i32
        %add3A_251 = arith.constant 0 : i32
        %add3A_252 = arith.addi %mul3A_250, %add3A_251 : i32
        %dma_wait3A_253 = arith.constant 0 : i32
        %dma_wait3A_254 = tpu.memref_slice %arg6[%add3A_252, %dma_wait3A_253] : memref<125x80xi32, #tpu.memory_space<vmem>> -> memref<1x80xi32, #tpu.memory_space<vmem>>
        %dma_wait3A_255 = tpu.memref_squeeze %dma_wait3A_254 : memref<1x80xi32, #tpu.memory_space<vmem>> -> memref<80xi32, #tpu.memory_space<vmem>>
        %dma_wait3A_256 = arith.constant 0 : i32
        %dma_wait3A_257 = arith.constant 0 : i32
        %dma_wait3A_258 = tpu.memref_slice %arg13[%dma_wait3A_256, %dma_wait3A_257] : memref<10240x72xf32, #tpu.memory_space<vmem_shared>> -> memref<10240x72xf32, #tpu.memory_space<vmem_shared>>
        tpu.wait_indirect_dma semaphore(%arg20 : memref<!tpu.dma_semaphore, #tpu.memory_space<semaphore_mem>>) src(%arg7 : memref<80x72xf32, #tpu.memory_space<vmem>>) dst(%dma_wait3A_258 : memref<10240x72xf32, #tpu.memory_space<vmem_shared>>)
      } else {
      }
      %mul3A_99 = arith.constant 5 : i32
      %mul3A_100 = arith.muli %scan3A_96, %mul3A_99 : i32
      %add3A_101 = arith.constant 0 : i32
      %add3A_102 = arith.addi %mul3A_100, %add3A_101 : i32
      %dma_start3A_103 = arith.constant 0 : i32
      %dma_start3A_104 = tpu.memref_slice %arg5[%add3A_102, %dma_start3A_103] : memref<125x80xi32, #tpu.memory_space<vmem>> -> memref<1x80xi32, #tpu.memory_space<vmem>>
      %dma_start3A_105 = tpu.memref_squeeze %dma_start3A_104 : memref<1x80xi32, #tpu.memory_space<vmem>> -> memref<80xi32, #tpu.memory_space<vmem>>
      %dma_start3A_106 = arith.constant 0 : i32
      %dma_start3A_107 = arith.constant 0 : i32
      %dma_start3A_108 = tpu.memref_slice %arg3[%dma_start3A_106, %dma_start3A_107] : memref<10000x72xf32, #tpu.memory_space<hbm>> -> memref<10000x72xf32, #tpu.memory_space<hbm>>
      tpu.enqueue_indirect_dma source(%dma_start3A_108 : memref<10000x72xf32, #tpu.memory_space<hbm>>) target(%arg7 : memref<80x72xf32, #tpu.memory_space<vmem>>) offsets(%dma_start3A_105 : memref<80xi32, #tpu.memory_space<vmem>>) semaphore(%arg15 : memref<!tpu.dma_semaphore, #tpu.memory_space<semaphore_mem>>)
      %gt3A_109 = arith.constant 0 : i32
      %gt3A_110 = arith.cmpi sgt, %scan3A_96, %gt3A_109 : i32
      %convert_element_type3A_111 = arith.extui %gt3A_110 : i1 to i32
      %cond3A_112 = arith.constant 0 : i32
      %cond3A_113 = arith.cmpi ne, %convert_element_type3A_111, %cond3A_112 : i32
      scf.if %cond3A_113 {
        %mul3A_249 = arith.constant 5 : i32
        %mul3A_250 = arith.muli %scan3A_96, %mul3A_249 : i32
        %add3A_251 = arith.constant 1 : i32
        %add3A_252 = arith.addi %mul3A_250, %add3A_251 : i32
        %dma_wait3A_253 = arith.constant 0 : i32
        %dma_wait3A_254 = tpu.memref_slice %arg6[%add3A_252, %dma_wait3A_253] : memref<125x80xi32, #tpu.memory_space<vmem>> -> memref<1x80xi32, #tpu.memory_space<vmem>>
        %dma_wait3A_255 = tpu.memref_squeeze %dma_wait3A_254 : memref<1x80xi32, #tpu.memory_space<vmem>> -> memref<80xi32, #tpu.memory_space<vmem>>
        %dma_wait3A_256 = arith.constant 0 : i32
        %dma_wait3A_257 = arith.constant 0 : i32
        %dma_wait3A_258 = tpu.memref_slice %arg13[%dma_wait3A_256, %dma_wait3A_257] : memref<10240x72xf32, #tpu.memory_space<vmem_shared>> -> memref<10240x72xf32, #tpu.memory_space<vmem_shared>>
        tpu.wait_indirect_dma semaphore(%arg21 : memref<!tpu.dma_semaphore, #tpu.memory_space<semaphore_mem>>) src(%arg8 : memref<80x72xf32, #tpu.memory_space<vmem>>) dst(%dma_wait3A_258 : memref<10240x72xf32, #tpu.memory_space<vmem_shared>>)
      } else {
      }
      %mul3A_114 = arith.constant 5 : i32
      %mul3A_115 = arith.muli %scan3A_96, %mul3A_114 : i32
      %add3A_116 = arith.constant 1 : i32
      %add3A_117 = arith.addi %mul3A_115, %add3A_116 : i32
      %dma_start3A_118 = arith.constant 0 : i32
      %dma_start3A_119 = tpu.memref_slice %arg5[%add3A_117, %dma_start3A_118] : memref<125x80xi32, #tpu.memory_space<vmem>> -> memref<1x80xi32, #tpu.memory_space<vmem>>
      %dma_start3A_120 = tpu.memref_squeeze %dma_start3A_119 : memref<1x80xi32, #tpu.memory_space<vmem>> -> memref<80xi32, #tpu.memory_space<vmem>>
      %dma_start3A_121 = arith.constant 0 : i32
      %dma_start3A_122 = arith.constant 0 : i32
      %dma_start3A_123 = tpu.memref_slice %arg3[%dma_start3A_121, %dma_start3A_122] : memref<10000x72xf32, #tpu.memory_space<hbm>> -> memref<10000x72xf32, #tpu.memory_space<hbm>>
      tpu.enqueue_indirect_dma source(%dma_start3A_123 : memref<10000x72xf32, #tpu.memory_space<hbm>>) target(%arg8 : memref<80x72xf32, #tpu.memory_space<vmem>>) offsets(%dma_start3A_120 : memref<80xi32, #tpu.memory_space<vmem>>) semaphore(%arg16 : memref<!tpu.dma_semaphore, #tpu.memory_space<semaphore_mem>>)
      %gt3A_124 = arith.constant 0 : i32
      %gt3A_125 = arith.cmpi sgt, %scan3A_96, %gt3A_124 : i32
      %convert_element_type3A_126 = arith.extui %gt3A_125 : i1 to i32
      %cond3A_127 = arith.constant 0 : i32
      %cond3A_128 = arith.cmpi ne, %convert_element_type3A_126, %cond3A_127 : i32
      scf.if %cond3A_128 {
        %mul3A_249 = arith.constant 5 : i32
        %mul3A_250 = arith.muli %scan3A_96, %mul3A_249 : i32
        %add3A_251 = arith.constant 2 : i32
        %add3A_252 = arith.addi %mul3A_250, %add3A_251 : i32
        %dma_wait3A_253 = arith.constant 0 : i32
        %dma_wait3A_254 = tpu.memref_slice %arg6[%add3A_252, %dma_wait3A_253] : memref<125x80xi32, #tpu.memory_space<vmem>> -> memref<1x80xi32, #tpu.memory_space<vmem>>
        %dma_wait3A_255 = tpu.memref_squeeze %dma_wait3A_254 : memref<1x80xi32, #tpu.memory_space<vmem>> -> memref<80xi32, #tpu.memory_space<vmem>>
        %dma_wait3A_256 = arith.constant 0 : i32
        %dma_wait3A_257 = arith.constant 0 : i32
        %dma_wait3A_258 = tpu.memref_slice %arg13[%dma_wait3A_256, %dma_wait3A_257] : memref<10240x72xf32, #tpu.memory_space<vmem_shared>> -> memref<10240x72xf32, #tpu.memory_space<vmem_shared>>
        tpu.wait_indirect_dma semaphore(%arg22 : memref<!tpu.dma_semaphore, #tpu.memory_space<semaphore_mem>>) src(%arg9 : memref<80x72xf32, #tpu.memory_space<vmem>>) dst(%dma_wait3A_258 : memref<10240x72xf32, #tpu.memory_space<vmem_shared>>)
      } else {
      }
      %mul3A_129 = arith.constant 5 : i32
      %mul3A_130 = arith.muli %scan3A_96, %mul3A_129 : i32
      %add3A_131 = arith.constant 2 : i32
      %add3A_132 = arith.addi %mul3A_130, %add3A_131 : i32
      %dma_start3A_133 = arith.constant 0 : i32
      %dma_start3A_134 = tpu.memref_slice %arg5[%add3A_132, %dma_start3A_133] : memref<125x80xi32, #tpu.memory_space<vmem>> -> memref<1x80xi32, #tpu.memory_space<vmem>>
      %dma_start3A_135 = tpu.memref_squeeze %dma_start3A_134 : memref<1x80xi32, #tpu.memory_space<vmem>> -> memref<80xi32, #tpu.memory_space<vmem>>
      %dma_start3A_136 = arith.constant 0 : i32
      %dma_start3A_137 = arith.constant 0 : i32
      %dma_start3A_138 = tpu.memref_slice %arg3[%dma_start3A_136, %dma_start3A_137] : memref<10000x72xf32, #tpu.memory_space<hbm>> -> memref<10000x72xf32, #tpu.memory_space<hbm>>
      tpu.enqueue_indirect_dma source(%dma_start3A_138 : memref<10000x72xf32, #tpu.memory_space<hbm>>) target(%arg9 : memref<80x72xf32, #tpu.memory_space<vmem>>) offsets(%dma_start3A_135 : memref<80xi32, #tpu.memory_space<vmem>>) semaphore(%arg17 : memref<!tpu.dma_semaphore, #tpu.memory_space<semaphore_mem>>)
      %gt3A_139 = arith.constant 0 : i32
      %gt3A_140 = arith.cmpi sgt, %scan3A_96, %gt3A_139 : i32
      %convert_element_type3A_141 = arith.extui %gt3A_140 : i1 to i32
      %cond3A_142 = arith.constant 0 : i32
      %cond3A_143 = arith.cmpi ne, %convert_element_type3A_141, %cond3A_142 : i32
      scf.if %cond3A_143 {
        %mul3A_249 = arith.constant 5 : i32
        %mul3A_250 = arith.muli %scan3A_96, %mul3A_249 : i32
        %add3A_251 = arith.constant 3 : i32
        %add3A_252 = arith.addi %mul3A_250, %add3A_251 : i32
        %dma_wait3A_253 = arith.constant 0 : i32
        %dma_wait3A_254 = tpu.memref_slice %arg6[%add3A_252, %dma_wait3A_253] : memref<125x80xi32, #tpu.memory_space<vmem>> -> memref<1x80xi32, #tpu.memory_space<vmem>>
        %dma_wait3A_255 = tpu.memref_squeeze %dma_wait3A_254 : memref<1x80xi32, #tpu.memory_space<vmem>> -> memref<80xi32, #tpu.memory_space<vmem>>
        %dma_wait3A_256 = arith.constant 0 : i32
        %dma_wait3A_257 = arith.constant 0 : i32
        %dma_wait3A_258 = tpu.memref_slice %arg13[%dma_wait3A_256, %dma_wait3A_257] : memref<10240x72xf32, #tpu.memory_space<vmem_shared>> -> memref<10240x72xf32, #tpu.memory_space<vmem_shared>>
        tpu.wait_indirect_dma semaphore(%arg23 : memref<!tpu.dma_semaphore, #tpu.memory_space<semaphore_mem>>) src(%arg10 : memref<80x72xf32, #tpu.memory_space<vmem>>) dst(%dma_wait3A_258 : memref<10240x72xf32, #tpu.memory_space<vmem_shared>>)
      } else {
      }
      %mul3A_144 = arith.constant 5 : i32
      %mul3A_145 = arith.muli %scan3A_96, %mul3A_144 : i32
      %add3A_146 = arith.constant 3 : i32
      %add3A_147 = arith.addi %mul3A_145, %add3A_146 : i32
      %dma_start3A_148 = arith.constant 0 : i32
      %dma_start3A_149 = tpu.memref_slice %arg5[%add3A_147, %dma_start3A_148] : memref<125x80xi32, #tpu.memory_space<vmem>> -> memref<1x80xi32, #tpu.memory_space<vmem>>
      %dma_start3A_150 = tpu.memref_squeeze %dma_start3A_149 : memref<1x80xi32, #tpu.memory_space<vmem>> -> memref<80xi32, #tpu.memory_space<vmem>>
      %dma_start3A_151 = arith.constant 0 : i32
      %dma_start3A_152 = arith.constant 0 : i32
      %dma_start3A_153 = tpu.memref_slice %arg3[%dma_start3A_151, %dma_start3A_152] : memref<10000x72xf32, #tpu.memory_space<hbm>> -> memref<10000x72xf32, #tpu.memory_space<hbm>>
      tpu.enqueue_indirect_dma source(%dma_start3A_153 : memref<10000x72xf32, #tpu.memory_space<hbm>>) target(%arg10 : memref<80x72xf32, #tpu.memory_space<vmem>>) offsets(%dma_start3A_150 : memref<80xi32, #tpu.memory_space<vmem>>) semaphore(%arg18 : memref<!tpu.dma_semaphore, #tpu.memory_space<semaphore_mem>>)
      %gt3A_154 = arith.constant 0 : i32
      %gt3A_155 = arith.cmpi sgt, %scan3A_96, %gt3A_154 : i32
      %convert_element_type3A_156 = arith.extui %gt3A_155 : i1 to i32
      %cond3A_157 = arith.constant 0 : i32
      %cond3A_158 = arith.cmpi ne, %convert_element_type3A_156, %cond3A_157 : i32
      scf.if %cond3A_158 {
        %mul3A_249 = arith.constant 5 : i32
        %mul3A_250 = arith.muli %scan3A_96, %mul3A_249 : i32
        %add3A_251 = arith.constant 4 : i32
        %add3A_252 = arith.addi %mul3A_250, %add3A_251 : i32
        %dma_wait3A_253 = arith.constant 0 : i32
        %dma_wait3A_254 = tpu.memref_slice %arg6[%add3A_252, %dma_wait3A_253] : memref<125x80xi32, #tpu.memory_space<vmem>> -> memref<1x80xi32, #tpu.memory_space<vmem>>
        %dma_wait3A_255 = tpu.memref_squeeze %dma_wait3A_254 : memref<1x80xi32, #tpu.memory_space<vmem>> -> memref<80xi32, #tpu.memory_space<vmem>>
        %dma_wait3A_256 = arith.constant 0 : i32
        %dma_wait3A_257 = arith.constant 0 : i32
        %dma_wait3A_258 = tpu.memref_slice %arg13[%dma_wait3A_256, %dma_wait3A_257] : memref<10240x72xf32, #tpu.memory_space<vmem_shared>> -> memref<10240x72xf32, #tpu.memory_space<vmem_shared>>
        tpu.wait_indirect_dma semaphore(%arg24 : memref<!tpu.dma_semaphore, #tpu.memory_space<semaphore_mem>>) src(%arg11 : memref<80x72xf32, #tpu.memory_space<vmem>>) dst(%dma_wait3A_258 : memref<10240x72xf32, #tpu.memory_space<vmem_shared>>)
      } else {
      }
      %mul3A_159 = arith.constant 5 : i32
      %mul3A_160 = arith.muli %scan3A_96, %mul3A_159 : i32
      %add3A_161 = arith.constant 4 : i32
      %add3A_162 = arith.addi %mul3A_160, %add3A_161 : i32
      %dma_start3A_163 = arith.constant 0 : i32
      %dma_start3A_164 = tpu.memref_slice %arg5[%add3A_162, %dma_start3A_163] : memref<125x80xi32, #tpu.memory_space<vmem>> -> memref<1x80xi32, #tpu.memory_space<vmem>>
      %dma_start3A_165 = tpu.memref_squeeze %dma_start3A_164 : memref<1x80xi32, #tpu.memory_space<vmem>> -> memref<80xi32, #tpu.memory_space<vmem>>
      %dma_start3A_166 = arith.constant 0 : i32
      %dma_start3A_167 = arith.constant 0 : i32
      %dma_start3A_168 = tpu.memref_slice %arg3[%dma_start3A_166, %dma_start3A_167] : memref<10000x72xf32, #tpu.memory_space<hbm>> -> memref<10000x72xf32, #tpu.memory_space<hbm>>
      tpu.enqueue_indirect_dma source(%dma_start3A_168 : memref<10000x72xf32, #tpu.memory_space<hbm>>) target(%arg11 : memref<80x72xf32, #tpu.memory_space<vmem>>) offsets(%dma_start3A_165 : memref<80xi32, #tpu.memory_space<vmem>>) semaphore(%arg19 : memref<!tpu.dma_semaphore, #tpu.memory_space<semaphore_mem>>)
      %dma_wait3A_169 = arith.constant 0 : i32
      %dma_wait3A_170 = tpu.memref_slice %arg5[%add3A_102, %dma_wait3A_169] : memref<125x80xi32, #tpu.memory_space<vmem>> -> memref<1x80xi32, #tpu.memory_space<vmem>>
      %dma_wait3A_171 = tpu.memref_squeeze %dma_wait3A_170 : memref<1x80xi32, #tpu.memory_space<vmem>> -> memref<80xi32, #tpu.memory_space<vmem>>
      %dma_wait3A_172 = arith.constant 0 : i32
      %dma_wait3A_173 = arith.constant 0 : i32
      %dma_wait3A_174 = tpu.memref_slice %arg3[%dma_wait3A_172, %dma_wait3A_173] : memref<10000x72xf32, #tpu.memory_space<hbm>> -> memref<10000x72xf32, #tpu.memory_space<hbm>>
      tpu.wait_indirect_dma semaphore(%arg15 : memref<!tpu.dma_semaphore, #tpu.memory_space<semaphore_mem>>) src(%dma_wait3A_174 : memref<10000x72xf32, #tpu.memory_space<hbm>>) dst(%arg7 : memref<80x72xf32, #tpu.memory_space<vmem>>)
      %mul3A_175 = arith.constant 5 : i32
      %mul3A_176 = arith.muli %scan3A_96, %mul3A_175 : i32
      %add3A_177 = arith.constant 0 : i32
      %add3A_178 = arith.addi %mul3A_176, %add3A_177 : i32
      %dma_start3A_179 = arith.constant 0 : i32
      %dma_start3A_180 = tpu.memref_slice %arg6[%add3A_178, %dma_start3A_179] : memref<125x80xi32, #tpu.memory_space<vmem>> -> memref<1x80xi32, #tpu.memory_space<vmem>>
      %dma_start3A_181 = tpu.memref_squeeze %dma_start3A_180 : memref<1x80xi32, #tpu.memory_space<vmem>> -> memref<80xi32, #tpu.memory_space<vmem>>
      %dma_start3A_182 = arith.constant 0 : i32
      %dma_start3A_183 = arith.constant 0 : i32
      %dma_start3A_184 = tpu.memref_slice %arg13[%dma_start3A_182, %dma_start3A_183] : memref<10240x72xf32, #tpu.memory_space<vmem_shared>> -> memref<10240x72xf32, #tpu.memory_space<vmem_shared>>
      tpu.enqueue_indirect_dma source(%arg7 : memref<80x72xf32, #tpu.memory_space<vmem>>) target(%dma_start3A_184 : memref<10240x72xf32, #tpu.memory_space<vmem_shared>>) offsets(%dma_start3A_181 : memref<80xi32, #tpu.memory_space<vmem>>) semaphore(%arg20 : memref<!tpu.dma_semaphore, #tpu.memory_space<semaphore_mem>>) {add = true}
      %dma_wait3A_185 = arith.constant 0 : i32
      %dma_wait3A_186 = tpu.memref_slice %arg5[%add3A_117, %dma_wait3A_185] : memref<125x80xi32, #tpu.memory_space<vmem>> -> memref<1x80xi32, #tpu.memory_space<vmem>>
      %dma_wait3A_187 = tpu.memref_squeeze %dma_wait3A_186 : memref<1x80xi32, #tpu.memory_space<vmem>> -> memref<80xi32, #tpu.memory_space<vmem>>
      %dma_wait3A_188 = arith.constant 0 : i32
      %dma_wait3A_189 = arith.constant 0 : i32
      %dma_wait3A_190 = tpu.memref_slice %arg3[%dma_wait3A_188, %dma_wait3A_189] : memref<10000x72xf32, #tpu.memory_space<hbm>> -> memref<10000x72xf32, #tpu.memory_space<hbm>>
      tpu.wait_indirect_dma semaphore(%arg16 : memref<!tpu.dma_semaphore, #tpu.memory_space<semaphore_mem>>) src(%dma_wait3A_190 : memref<10000x72xf32, #tpu.memory_space<hbm>>) dst(%arg8 : memref<80x72xf32, #tpu.memory_space<vmem>>)
      %mul3A_191 = arith.constant 5 : i32
      %mul3A_192 = arith.muli %scan3A_96, %mul3A_191 : i32
      %add3A_193 = arith.constant 1 : i32
      %add3A_194 = arith.addi %mul3A_192, %add3A_193 : i32
      %dma_start3A_195 = arith.constant 0 : i32
      %dma_start3A_196 = tpu.memref_slice %arg6[%add3A_194, %dma_start3A_195] : memref<125x80xi32, #tpu.memory_space<vmem>> -> memref<1x80xi32, #tpu.memory_space<vmem>>
      %dma_start3A_197 = tpu.memref_squeeze %dma_start3A_196 : memref<1x80xi32, #tpu.memory_space<vmem>> -> memref<80xi32, #tpu.memory_space<vmem>>
      %dma_start3A_198 = arith.constant 0 : i32
      %dma_start3A_199 = arith.constant 0 : i32
      %dma_start3A_200 = tpu.memref_slice %arg13[%dma_start3A_198, %dma_start3A_199] : memref<10240x72xf32, #tpu.memory_space<vmem_shared>> -> memref<10240x72xf32, #tpu.memory_space<vmem_shared>>
      tpu.enqueue_indirect_dma source(%arg8 : memref<80x72xf32, #tpu.memory_space<vmem>>) target(%dma_start3A_200 : memref<10240x72xf32, #tpu.memory_space<vmem_shared>>) offsets(%dma_start3A_197 : memref<80xi32, #tpu.memory_space<vmem>>) semaphore(%arg21 : memref<!tpu.dma_semaphore, #tpu.memory_space<semaphore_mem>>) {add = true}
      %dma_wait3A_201 = arith.constant 0 : i32
      %dma_wait3A_202 = tpu.memref_slice %arg5[%add3A_132, %dma_wait3A_201] : memref<125x80xi32, #tpu.memory_space<vmem>> -> memref<1x80xi32, #tpu.memory_space<vmem>>
      %dma_wait3A_203 = tpu.memref_squeeze %dma_wait3A_202 : memref<1x80xi32, #tpu.memory_space<vmem>> -> memref<80xi32, #tpu.memory_space<vmem>>
      %dma_wait3A_204 = arith.constant 0 : i32
      %dma_wait3A_205 = arith.constant 0 : i32
      %dma_wait3A_206 = tpu.memref_slice %arg3[%dma_wait3A_204, %dma_wait3A_205] : memref<10000x72xf32, #tpu.memory_space<hbm>> -> memref<10000x72xf32, #tpu.memory_space<hbm>>
      tpu.wait_indirect_dma semaphore(%arg17 : memref<!tpu.dma_semaphore, #tpu.memory_space<semaphore_mem>>) src(%dma_wait3A_206 : memref<10000x72xf32, #tpu.memory_space<hbm>>) dst(%arg9 : memref<80x72xf32, #tpu.memory_space<vmem>>)
      %mul3A_207 = arith.constant 5 : i32
      %mul3A_208 = arith.muli %scan3A_96, %mul3A_207 : i32
      %add3A_209 = arith.constant 2 : i32
      %add3A_210 = arith.addi %mul3A_208, %add3A_209 : i32
      %dma_start3A_211 = arith.constant 0 : i32
      %dma_start3A_212 = tpu.memref_slice %arg6[%add3A_210, %dma_start3A_211] : memref<125x80xi32, #tpu.memory_space<vmem>> -> memref<1x80xi32, #tpu.memory_space<vmem>>
      %dma_start3A_213 = tpu.memref_squeeze %dma_start3A_212 : memref<1x80xi32, #tpu.memory_space<vmem>> -> memref<80xi32, #tpu.memory_space<vmem>>
      %dma_start3A_214 = arith.constant 0 : i32
      %dma_start3A_215 = arith.constant 0 : i32
      %dma_start3A_216 = tpu.memref_slice %arg13[%dma_start3A_214, %dma_start3A_215] : memref<10240x72xf32, #tpu.memory_space<vmem_shared>> -> memref<10240x72xf32, #tpu.memory_space<vmem_shared>>
      tpu.enqueue_indirect_dma source(%arg9 : memref<80x72xf32, #tpu.memory_space<vmem>>) target(%dma_start3A_216 : memref<10240x72xf32, #tpu.memory_space<vmem_shared>>) offsets(%dma_start3A_213 : memref<80xi32, #tpu.memory_space<vmem>>) semaphore(%arg22 : memref<!tpu.dma_semaphore, #tpu.memory_space<semaphore_mem>>) {add = true}
      %dma_wait3A_217 = arith.constant 0 : i32
      %dma_wait3A_218 = tpu.memref_slice %arg5[%add3A_147, %dma_wait3A_217] : memref<125x80xi32, #tpu.memory_space<vmem>> -> memref<1x80xi32, #tpu.memory_space<vmem>>
      %dma_wait3A_219 = tpu.memref_squeeze %dma_wait3A_218 : memref<1x80xi32, #tpu.memory_space<vmem>> -> memref<80xi32, #tpu.memory_space<vmem>>
      %dma_wait3A_220 = arith.constant 0 : i32
      %dma_wait3A_221 = arith.constant 0 : i32
      %dma_wait3A_222 = tpu.memref_slice %arg3[%dma_wait3A_220, %dma_wait3A_221] : memref<10000x72xf32, #tpu.memory_space<hbm>> -> memref<10000x72xf32, #tpu.memory_space<hbm>>
      tpu.wait_indirect_dma semaphore(%arg18 : memref<!tpu.dma_semaphore, #tpu.memory_space<semaphore_mem>>) src(%dma_wait3A_222 : memref<10000x72xf32, #tpu.memory_space<hbm>>) dst(%arg10 : memref<80x72xf32, #tpu.memory_space<vmem>>)
      %mul3A_223 = arith.constant 5 : i32
      %mul3A_224 = arith.muli %scan3A_96, %mul3A_223 : i32
      %add3A_225 = arith.constant 3 : i32
      %add3A_226 = arith.addi %mul3A_224, %add3A_225 : i32
      %dma_start3A_227 = arith.constant 0 : i32
      %dma_start3A_228 = tpu.memref_slice %arg6[%add3A_226, %dma_start3A_227] : memref<125x80xi32, #tpu.memory_space<vmem>> -> memref<1x80xi32, #tpu.memory_space<vmem>>
      %dma_start3A_229 = tpu.memref_squeeze %dma_start3A_228 : memref<1x80xi32, #tpu.memory_space<vmem>> -> memref<80xi32, #tpu.memory_space<vmem>>
      %dma_start3A_230 = arith.constant 0 : i32
      %dma_start3A_231 = arith.constant 0 : i32
      %dma_start3A_232 = tpu.memref_slice %arg13[%dma_start3A_230, %dma_start3A_231] : memref<10240x72xf32, #tpu.memory_space<vmem_shared>> -> memref<10240x72xf32, #tpu.memory_space<vmem_shared>>
      tpu.enqueue_indirect_dma source(%arg10 : memref<80x72xf32, #tpu.memory_space<vmem>>) target(%dma_start3A_232 : memref<10240x72xf32, #tpu.memory_space<vmem_shared>>) offsets(%dma_start3A_229 : memref<80xi32, #tpu.memory_space<vmem>>) semaphore(%arg23 : memref<!tpu.dma_semaphore, #tpu.memory_space<semaphore_mem>>) {add = true}
      %dma_wait3A_233 = arith.constant 0 : i32
      %dma_wait3A_234 = tpu.memref_slice %arg5[%add3A_162, %dma_wait3A_233] : memref<125x80xi32, #tpu.memory_space<vmem>> -> memref<1x80xi32, #tpu.memory_space<vmem>>
      %dma_wait3A_235 = tpu.memref_squeeze %dma_wait3A_234 : memref<1x80xi32, #tpu.memory_space<vmem>> -> memref<80xi32, #tpu.memory_space<vmem>>
      %dma_wait3A_236 = arith.constant 0 : i32
      %dma_wait3A_237 = arith.constant 0 : i32
      %dma_wait3A_238 = tpu.memref_slice %arg3[%dma_wait3A_236, %dma_wait3A_237] : memref<10000x72xf32, #tpu.memory_space<hbm>> -> memref<10000x72xf32, #tpu.memory_space<hbm>>
      tpu.wait_indirect_dma semaphore(%arg19 : memref<!tpu.dma_semaphore, #tpu.memory_space<semaphore_mem>>) src(%dma_wait3A_238 : memref<10000x72xf32, #tpu.memory_space<hbm>>) dst(%arg11 : memref<80x72xf32, #tpu.memory_space<vmem>>)
      %mul3A_239 = arith.constant 5 : i32
      %mul3A_240 = arith.muli %scan3A_96, %mul3A_239 : i32
      %add3A_241 = arith.constant 4 : i32
      %add3A_242 = arith.addi %mul3A_240, %add3A_241 : i32
      %dma_start3A_243 = arith.constant 0 : i32
      %dma_start3A_244 = tpu.memref_slice %arg6[%add3A_242, %dma_start3A_243] : memref<125x80xi32, #tpu.memory_space<vmem>> -> memref<1x80xi32, #tpu.memory_space<vmem>>
      %dma_start3A_245 = tpu.memref_squeeze %dma_start3A_244 : memref<1x80xi32, #tpu.memory_space<vmem>> -> memref<80xi32, #tpu.memory_space<vmem>>
      %dma_start3A_246 = arith.constant 0 : i32
      %dma_start3A_247 = arith.constant 0 : i32
      %dma_start3A_248 = tpu.memref_slice %arg13[%dma_start3A_246, %dma_start3A_247] : memref<10240x72xf32, #tpu.memory_space<vmem_shared>> -> memref<10240x72xf32, #tpu.memory_space<vmem_shared>>
      tpu.enqueue_indirect_dma source(%arg11 : memref<80x72xf32, #tpu.memory_space<vmem>>) target(%dma_start3A_248 : memref<10240x72xf32, #tpu.memory_space<vmem_shared>>) offsets(%dma_start3A_245 : memref<80xi32, #tpu.memory_space<vmem>>) semaphore(%arg24 : memref<!tpu.dma_semaphore, #tpu.memory_space<semaphore_mem>>) {add = true}
    }
    %scan3A_51 = arith.constant 25 : i32
    %dma_wait3A_52 = arith.constant 0 : i32
    %dma_wait3A_53 = arith.constant 0 : i32
    %dma_wait3A_54 = tpu.memref_slice %arg6[%dma_wait3A_52, %dma_wait3A_53] : memref<125x80xi32, #tpu.memory_space<vmem>> -> memref<1x80xi32, #tpu.memory_space<vmem>>
    %dma_wait3A_55 = tpu.memref_squeeze %dma_wait3A_54 : memref<1x80xi32, #tpu.memory_space<vmem>> -> memref<80xi32, #tpu.memory_space<vmem>>
    %dma_wait3A_56 = arith.constant 0 : i32
    %dma_wait3A_57 = arith.constant 0 : i32
    %dma_wait3A_58 = tpu.memref_slice %arg13[%dma_wait3A_56, %dma_wait3A_57] : memref<10240x72xf32, #tpu.memory_space<vmem_shared>> -> memref<10240x72xf32, #tpu.memory_space<vmem_shared>>
    tpu.wait_indirect_dma semaphore(%arg20 : memref<!tpu.dma_semaphore, #tpu.memory_space<semaphore_mem>>) src(%arg7 : memref<80x72xf32, #tpu.memory_space<vmem>>) dst(%dma_wait3A_58 : memref<10240x72xf32, #tpu.memory_space<vmem_shared>>)
    %dma_wait3A_59 = arith.constant 1 : i32
    %dma_wait3A_60 = arith.constant 0 : i32
    %dma_wait3A_61 = tpu.memref_slice %arg6[%dma_wait3A_59, %dma_wait3A_60] : memref<125x80xi32, #tpu.memory_space<vmem>> -> memref<1x80xi32, #tpu.memory_space<vmem>>
    %dma_wait3A_62 = tpu.memref_squeeze %dma_wait3A_61 : memref<1x80xi32, #tpu.memory_space<vmem>> -> memref<80xi32, #tpu.memory_space<vmem>>
    %dma_wait3A_63 = arith.constant 0 : i32
    %dma_wait3A_64 = arith.constant 0 : i32
    %dma_wait3A_65 = tpu.memref_slice %arg13[%dma_wait3A_63, %dma_wait3A_64] : memref<10240x72xf32, #tpu.memory_space<vmem_shared>> -> memref<10240x72xf32, #tpu.memory_space<vmem_shared>>
    tpu.wait_indirect_dma semaphore(%arg21 : memref<!tpu.dma_semaphore, #tpu.memory_space<semaphore_mem>>) src(%arg8 : memref<80x72xf32, #tpu.memory_space<vmem>>) dst(%dma_wait3A_65 : memref<10240x72xf32, #tpu.memory_space<vmem_shared>>)
    %dma_wait3A_66 = arith.constant 2 : i32
    %dma_wait3A_67 = arith.constant 0 : i32
    %dma_wait3A_68 = tpu.memref_slice %arg6[%dma_wait3A_66, %dma_wait3A_67] : memref<125x80xi32, #tpu.memory_space<vmem>> -> memref<1x80xi32, #tpu.memory_space<vmem>>
    %dma_wait3A_69 = tpu.memref_squeeze %dma_wait3A_68 : memref<1x80xi32, #tpu.memory_space<vmem>> -> memref<80xi32, #tpu.memory_space<vmem>>
    %dma_wait3A_70 = arith.constant 0 : i32
    %dma_wait3A_71 = arith.constant 0 : i32
    %dma_wait3A_72 = tpu.memref_slice %arg13[%dma_wait3A_70, %dma_wait3A_71] : memref<10240x72xf32, #tpu.memory_space<vmem_shared>> -> memref<10240x72xf32, #tpu.memory_space<vmem_shared>>
    tpu.wait_indirect_dma semaphore(%arg22 : memref<!tpu.dma_semaphore, #tpu.memory_space<semaphore_mem>>) src(%arg9 : memref<80x72xf32, #tpu.memory_space<vmem>>) dst(%dma_wait3A_72 : memref<10240x72xf32, #tpu.memory_space<vmem_shared>>)
    %dma_wait3A_73 = arith.constant 3 : i32
    %dma_wait3A_74 = arith.constant 0 : i32
    %dma_wait3A_75 = tpu.memref_slice %arg6[%dma_wait3A_73, %dma_wait3A_74] : memref<125x80xi32, #tpu.memory_space<vmem>> -> memref<1x80xi32, #tpu.memory_space<vmem>>
    %dma_wait3A_76 = tpu.memref_squeeze %dma_wait3A_75 : memref<1x80xi32, #tpu.memory_space<vmem>> -> memref<80xi32, #tpu.memory_space<vmem>>
    %dma_wait3A_77 = arith.constant 0 : i32
    %dma_wait3A_78 = arith.constant 0 : i32
    %dma_wait3A_79 = tpu.memref_slice %arg13[%dma_wait3A_77, %dma_wait3A_78] : memref<10240x72xf32, #tpu.memory_space<vmem_shared>> -> memref<10240x72xf32, #tpu.memory_space<vmem_shared>>
    tpu.wait_indirect_dma semaphore(%arg23 : memref<!tpu.dma_semaphore, #tpu.memory_space<semaphore_mem>>) src(%arg10 : memref<80x72xf32, #tpu.memory_space<vmem>>) dst(%dma_wait3A_79 : memref<10240x72xf32, #tpu.memory_space<vmem_shared>>)
    %dma_wait3A_80 = arith.constant 4 : i32
    %dma_wait3A_81 = arith.constant 0 : i32
    %dma_wait3A_82 = tpu.memref_slice %arg6[%dma_wait3A_80, %dma_wait3A_81] : memref<125x80xi32, #tpu.memory_space<vmem>> -> memref<1x80xi32, #tpu.memory_space<vmem>>
    %dma_wait3A_83 = tpu.memref_squeeze %dma_wait3A_82 : memref<1x80xi32, #tpu.memory_space<vmem>> -> memref<80xi32, #tpu.memory_space<vmem>>
    %dma_wait3A_84 = arith.constant 0 : i32
    %dma_wait3A_85 = arith.constant 0 : i32
    %dma_wait3A_86 = tpu.memref_slice %arg13[%dma_wait3A_84, %dma_wait3A_85] : memref<10240x72xf32, #tpu.memory_space<vmem_shared>> -> memref<10240x72xf32, #tpu.memory_space<vmem_shared>>
    tpu.wait_indirect_dma semaphore(%arg24 : memref<!tpu.dma_semaphore, #tpu.memory_space<semaphore_mem>>) src(%arg11 : memref<80x72xf32, #tpu.memory_space<vmem>>) dst(%dma_wait3A_86 : memref<10240x72xf32, #tpu.memory_space<vmem_shared>>)
    %barrier3A_87 = arith.constant 0 : index
    tpu.barrier barrier_id(%barrier3A_87)
    %mul3A_88 = arith.constant 10240 : i32
    %mul3A_89 = arith.muli %arg0, %mul3A_88 : i32
    %add3A_90 = arith.addi %mul3A_89, %mul3A_24 : i32
    %scan3A_91 = arith.constant 0 : i32
    %scan3A_92 = arith.constant 5 : i32
    %scan3A_93 = arith.addi %scan3A_91, %scan3A_92 : i32
    %scan3A_94 = arith.constant 1 : i32
    scf.for %scan3A_96 = %scan3A_91 to %scan3A_93 step %scan3A_94  : i32 {
      %mul3A_97 = arith.constant 128 : i32
      %mul3A_98 = arith.muli %scan3A_96, %mul3A_97 : i32
      %add3A_99 = arith.addi %mul3A_24, %mul3A_98 : i32
      "tpu.region"() ({
        %run_scoped3A = tpu.sem_alloc : memref<!tpu.dma_semaphore, #tpu.memory_space<semaphore_mem>>
        %dma_start3A_103 = arith.constant 0 : i32
        %dma_start3A_104 = arith.constant 0 : i32
        %dma_start3A_105 = tpu.memref_slice %arg12[%dma_start3A_103, %dma_start3A_104] : memref<128x128xf32, #tpu.memory_space<vmem>> -> memref<128x72xf32, #tpu.memory_space<vmem>>
        %dma_start3A_106 = arith.constant 0 : i32
        %dma_start3A_107 = tpu.memref_slice %arg13[%add3A_99, %dma_start3A_106] : memref<10240x72xf32, #tpu.memory_space<vmem_shared>> -> memref<128x72xf32, #tpu.memory_space<vmem_shared>>
        %dma_start3A_108 = arith.constant 0 : i32
        %dma_start3A_109 = arith.constant 0 : i32
        %dma_start3A_110 = tpu.memref_slice %arg12[%dma_start3A_108, %dma_start3A_109] : memref<128x128xf32, #tpu.memory_space<vmem>> -> memref<128x72xf32, #tpu.memory_space<vmem>>
        %dma_start3A_111 = arith.constant 0 : i32
        %dma_start3A_112 = tpu.memref_slice %arg13[%add3A_99, %dma_start3A_111] : memref<10240x72xf32, #tpu.memory_space<vmem_shared>> -> memref<128x72xf32, #tpu.memory_space<vmem_shared>>
        tpu.enqueue_dma source(%dma_start3A_112 : memref<128x72xf32, #tpu.memory_space<vmem_shared>>) target(%dma_start3A_110 : memref<128x72xf32, #tpu.memory_space<vmem>>) target_semaphore(%run_scoped3A : memref<!tpu.dma_semaphore, #tpu.memory_space<semaphore_mem>>)
        %dma_wait3A_113 = arith.constant 0 : i32
        %dma_wait3A_114 = arith.constant 0 : i32
        %dma_wait3A_115 = tpu.memref_slice %arg12[%dma_wait3A_113, %dma_wait3A_114] : memref<128x128xf32, #tpu.memory_space<vmem>> -> memref<128x72xf32, #tpu.memory_space<vmem>>
        %dma_wait3A_116 = arith.constant 0 : i32
        %dma_wait3A_117 = tpu.memref_slice %arg13[%add3A_99, %dma_wait3A_116] : memref<10240x72xf32, #tpu.memory_space<vmem_shared>> -> memref<128x72xf32, #tpu.memory_space<vmem_shared>>
        %dma_wait3A_118 = arith.constant 0 : i32
        %dma_wait3A_119 = arith.constant 0 : i32
        %dma_wait3A_120 = tpu.memref_slice %arg12[%dma_wait3A_118, %dma_wait3A_119] : memref<128x128xf32, #tpu.memory_space<vmem>> -> memref<128x72xf32, #tpu.memory_space<vmem>>
        %dma_wait3A_121 = arith.constant 0 : i32
        %dma_wait3A_122 = tpu.memref_slice %arg13[%add3A_99, %dma_wait3A_121] : memref<10240x72xf32, #tpu.memory_space<vmem_shared>> -> memref<128x72xf32, #tpu.memory_space<vmem_shared>>
        tpu.wait_dma2 semaphore(%run_scoped3A : memref<!tpu.dma_semaphore, #tpu.memory_space<semaphore_mem>>) src(%dma_wait3A_122 : memref<128x72xf32, #tpu.memory_space<vmem_shared>>) dst(%dma_wait3A_120 : memref<128x72xf32, #tpu.memory_space<vmem>>)
        tpu.yield
      }) : () -> ()
      %mul3A_100 = arith.constant 128 : i32
      %mul3A_101 = arith.muli %scan3A_96, %mul3A_100 : i32
      %add3A_102 = arith.addi %add3A_90, %mul3A_101 : i32
      "tpu.region"() ({
        %run_scoped3A = tpu.sem_alloc : memref<!tpu.dma_semaphore, #tpu.memory_space<semaphore_mem>>
        %dma_start3A_103 = arith.constant 0 : i32
        %dma_start3A_104 = tpu.memref_slice %arg4[%add3A_102, %dma_start3A_103] : memref<20480x128xf32, #tpu.memory_space<hbm>> -> memref<128x128xf32, #tpu.memory_space<hbm>>
        %dma_start3A_105 = arith.constant 0 : i32
        %dma_start3A_106 = tpu.memref_slice %arg4[%add3A_102, %dma_start3A_105] : memref<20480x128xf32, #tpu.memory_space<hbm>> -> memref<128x128xf32, #tpu.memory_space<hbm>>
        tpu.enqueue_dma source(%arg12 : memref<128x128xf32, #tpu.memory_space<vmem>>) target(%dma_start3A_106 : memref<128x128xf32, #tpu.memory_space<hbm>>) target_semaphore(%run_scoped3A : memref<!tpu.dma_semaphore, #tpu.memory_space<semaphore_mem>>)
        %dma_wait3A_107 = arith.constant 0 : i32
        %dma_wait3A_108 = tpu.memref_slice %arg4[%add3A_102, %dma_wait3A_107] : memref<20480x128xf32, #tpu.memory_space<hbm>> -> memref<128x128xf32, #tpu.memory_space<hbm>>
        %dma_wait3A_109 = arith.constant 0 : i32
        %dma_wait3A_110 = tpu.memref_slice %arg4[%add3A_102, %dma_wait3A_109] : memref<20480x128xf32, #tpu.memory_space<hbm>> -> memref<128x128xf32, #tpu.memory_space<hbm>>
        tpu.wait_dma2 semaphore(%run_scoped3A : memref<!tpu.dma_semaphore, #tpu.memory_space<semaphore_mem>>) src(%arg12 : memref<128x128xf32, #tpu.memory_space<vmem>>) dst(%dma_wait3A_110 : memref<128x128xf32, #tpu.memory_space<hbm>>)
        tpu.yield
      }) : () -> ()
    }
    %scan3A_95 = arith.constant 5 : i32
    return
  }
}

module attributes {stable_mosaic.version = 14 : i64} {
  func.func @_prologue_body(%arg0: memref<1x10xf32, #tpu.memory_space<smem>>, %arg1: memref<1x1xf32, #tpu.memory_space<smem>>, %arg2: memref<10000x128xf32, #tpu.memory_space<vmem>>, %arg3: memref<119x64xf32, #tpu.memory_space<vmem>>, %arg4: memref<119x64xf32, #tpu.memory_space<vmem>>, %arg5: memref<10000x64xf32, #tpu.memory_space<vmem>>, %arg6: memref<10000x72xf32, #tpu.memory_space<vmem>>) attributes {dimension_semantics = [], scalar_prefetch = 0 : i64, scratch_operands = 0 : i64, tpu.core_type = #tpu.core_type<tc>} {
    %iota3A = tpu.iota {dimensions = array<i32: 0>} : vector<128x119xi32>
    %iota3A_0 = tpu.iota {dimensions = array<i32: 1>} : vector<128x119xi32>
    %sub3A = arith.subi %iota3A, %iota3A_0 : vector<128x119xi32>
    %broadcast_in_dim3A = arith.constant 0.000000e+00 : f32
    %broadcast_in_dim3A_1 = vector.broadcast %broadcast_in_dim3A : f32 to vector<128x119xf32>
    %eq3A = arith.constant 0 : i32
    %eq3A_2 = vector.broadcast %eq3A : i32 to vector<128x119xi32>
    %eq3A_3 = arith.cmpi eq, %sub3A, %eq3A_2 : vector<128x119xi32>
    %get3A = arith.constant 0 : index
    %get3A_4 = arith.constant 0 : index
    %get3A_5 = memref.load %arg0[%get3A, %get3A_4] : memref<1x10xf32, #tpu.memory_space<smem>>
    %jit3A = arith.constant 0.000000e+00 : f32
    %broadcast_in_dim3A_6 = vector.broadcast %get3A_5 : f32 to vector<128x119xf32>
    %broadcast_in_dim3A_7 = vector.broadcast %jit3A : f32 to vector<128x119xf32>
    %select_n3A = arith.select %eq3A_3, %broadcast_in_dim3A_6, %broadcast_in_dim3A_7 : vector<128x119xi1>, vector<128x119xf32>
    %add3A = arith.addf %broadcast_in_dim3A_1, %select_n3A : vector<128x119xf32>
    %eq3A_8 = arith.constant 1 : i32
    %eq3A_9 = vector.broadcast %eq3A_8 : i32 to vector<128x119xi32>
    %eq3A_10 = arith.cmpi eq, %sub3A, %eq3A_9 : vector<128x119xi32>
    %get3A_11 = arith.constant 0 : index
    %get3A_12 = arith.constant 1 : index
    %get3A_13 = memref.load %arg0[%get3A_11, %get3A_12] : memref<1x10xf32, #tpu.memory_space<smem>>
    %jit3A_14 = arith.constant 0.000000e+00 : f32
    %broadcast_in_dim3A_15 = vector.broadcast %get3A_13 : f32 to vector<128x119xf32>
    %broadcast_in_dim3A_16 = vector.broadcast %jit3A_14 : f32 to vector<128x119xf32>
    %select_n3A_17 = arith.select %eq3A_10, %broadcast_in_dim3A_15, %broadcast_in_dim3A_16 : vector<128x119xi1>, vector<128x119xf32>
    %add3A_18 = arith.addf %add3A, %select_n3A_17 : vector<128x119xf32>
    %eq3A_19 = arith.constant 2 : i32
    %eq3A_20 = vector.broadcast %eq3A_19 : i32 to vector<128x119xi32>
    %eq3A_21 = arith.cmpi eq, %sub3A, %eq3A_20 : vector<128x119xi32>
    %get3A_22 = arith.constant 0 : index
    %get3A_23 = arith.constant 2 : index
    %get3A_24 = memref.load %arg0[%get3A_22, %get3A_23] : memref<1x10xf32, #tpu.memory_space<smem>>
    %jit3A_25 = arith.constant 0.000000e+00 : f32
    %broadcast_in_dim3A_26 = vector.broadcast %get3A_24 : f32 to vector<128x119xf32>
    %broadcast_in_dim3A_27 = vector.broadcast %jit3A_25 : f32 to vector<128x119xf32>
    %select_n3A_28 = arith.select %eq3A_21, %broadcast_in_dim3A_26, %broadcast_in_dim3A_27 : vector<128x119xi1>, vector<128x119xf32>
    %add3A_29 = arith.addf %add3A_18, %select_n3A_28 : vector<128x119xf32>
    %eq3A_30 = arith.constant 3 : i32
    %eq3A_31 = vector.broadcast %eq3A_30 : i32 to vector<128x119xi32>
    %eq3A_32 = arith.cmpi eq, %sub3A, %eq3A_31 : vector<128x119xi32>
    %get3A_33 = arith.constant 0 : index
    %get3A_34 = arith.constant 3 : index
    %get3A_35 = memref.load %arg0[%get3A_33, %get3A_34] : memref<1x10xf32, #tpu.memory_space<smem>>
    %jit3A_36 = arith.constant 0.000000e+00 : f32
    %broadcast_in_dim3A_37 = vector.broadcast %get3A_35 : f32 to vector<128x119xf32>
    %broadcast_in_dim3A_38 = vector.broadcast %jit3A_36 : f32 to vector<128x119xf32>
    %select_n3A_39 = arith.select %eq3A_32, %broadcast_in_dim3A_37, %broadcast_in_dim3A_38 : vector<128x119xi1>, vector<128x119xf32>
    %add3A_40 = arith.addf %add3A_29, %select_n3A_39 : vector<128x119xf32>
    %eq3A_41 = arith.constant 4 : i32
    %eq3A_42 = vector.broadcast %eq3A_41 : i32 to vector<128x119xi32>
    %eq3A_43 = arith.cmpi eq, %sub3A, %eq3A_42 : vector<128x119xi32>
    %get3A_44 = arith.constant 0 : index
    %get3A_45 = arith.constant 4 : index
    %get3A_46 = memref.load %arg0[%get3A_44, %get3A_45] : memref<1x10xf32, #tpu.memory_space<smem>>
    %jit3A_47 = arith.constant 0.000000e+00 : f32
    %broadcast_in_dim3A_48 = vector.broadcast %get3A_46 : f32 to vector<128x119xf32>
    %broadcast_in_dim3A_49 = vector.broadcast %jit3A_47 : f32 to vector<128x119xf32>
    %select_n3A_50 = arith.select %eq3A_43, %broadcast_in_dim3A_48, %broadcast_in_dim3A_49 : vector<128x119xi1>, vector<128x119xf32>
    %add3A_51 = arith.addf %add3A_40, %select_n3A_50 : vector<128x119xf32>
    %eq3A_52 = arith.constant 5 : i32
    %eq3A_53 = vector.broadcast %eq3A_52 : i32 to vector<128x119xi32>
    %eq3A_54 = arith.cmpi eq, %sub3A, %eq3A_53 : vector<128x119xi32>
    %get3A_55 = arith.constant 0 : index
    %get3A_56 = arith.constant 5 : index
    %get3A_57 = memref.load %arg0[%get3A_55, %get3A_56] : memref<1x10xf32, #tpu.memory_space<smem>>
    %jit3A_58 = arith.constant 0.000000e+00 : f32
    %broadcast_in_dim3A_59 = vector.broadcast %get3A_57 : f32 to vector<128x119xf32>
    %broadcast_in_dim3A_60 = vector.broadcast %jit3A_58 : f32 to vector<128x119xf32>
    %select_n3A_61 = arith.select %eq3A_54, %broadcast_in_dim3A_59, %broadcast_in_dim3A_60 : vector<128x119xi1>, vector<128x119xf32>
    %add3A_62 = arith.addf %add3A_51, %select_n3A_61 : vector<128x119xf32>
    %eq3A_63 = arith.constant 6 : i32
    %eq3A_64 = vector.broadcast %eq3A_63 : i32 to vector<128x119xi32>
    %eq3A_65 = arith.cmpi eq, %sub3A, %eq3A_64 : vector<128x119xi32>
    %get3A_66 = arith.constant 0 : index
    %get3A_67 = arith.constant 6 : index
    %get3A_68 = memref.load %arg0[%get3A_66, %get3A_67] : memref<1x10xf32, #tpu.memory_space<smem>>
    %jit3A_69 = arith.constant 0.000000e+00 : f32
    %broadcast_in_dim3A_70 = vector.broadcast %get3A_68 : f32 to vector<128x119xf32>
    %broadcast_in_dim3A_71 = vector.broadcast %jit3A_69 : f32 to vector<128x119xf32>
    %select_n3A_72 = arith.select %eq3A_65, %broadcast_in_dim3A_70, %broadcast_in_dim3A_71 : vector<128x119xi1>, vector<128x119xf32>
    %add3A_73 = arith.addf %add3A_62, %select_n3A_72 : vector<128x119xf32>
    %eq3A_74 = arith.constant 7 : i32
    %eq3A_75 = vector.broadcast %eq3A_74 : i32 to vector<128x119xi32>
    %eq3A_76 = arith.cmpi eq, %sub3A, %eq3A_75 : vector<128x119xi32>
    %get3A_77 = arith.constant 0 : index
    %get3A_78 = arith.constant 7 : index
    %get3A_79 = memref.load %arg0[%get3A_77, %get3A_78] : memref<1x10xf32, #tpu.memory_space<smem>>
    %jit3A_80 = arith.constant 0.000000e+00 : f32
    %broadcast_in_dim3A_81 = vector.broadcast %get3A_79 : f32 to vector<128x119xf32>
    %broadcast_in_dim3A_82 = vector.broadcast %jit3A_80 : f32 to vector<128x119xf32>
    %select_n3A_83 = arith.select %eq3A_76, %broadcast_in_dim3A_81, %broadcast_in_dim3A_82 : vector<128x119xi1>, vector<128x119xf32>
    %add3A_84 = arith.addf %add3A_73, %select_n3A_83 : vector<128x119xf32>
    %eq3A_85 = arith.constant 8 : i32
    %eq3A_86 = vector.broadcast %eq3A_85 : i32 to vector<128x119xi32>
    %eq3A_87 = arith.cmpi eq, %sub3A, %eq3A_86 : vector<128x119xi32>
    %get3A_88 = arith.constant 0 : index
    %get3A_89 = arith.constant 8 : index
    %get3A_90 = memref.load %arg0[%get3A_88, %get3A_89] : memref<1x10xf32, #tpu.memory_space<smem>>
    %jit3A_91 = arith.constant 0.000000e+00 : f32
    %broadcast_in_dim3A_92 = vector.broadcast %get3A_90 : f32 to vector<128x119xf32>
    %broadcast_in_dim3A_93 = vector.broadcast %jit3A_91 : f32 to vector<128x119xf32>
    %select_n3A_94 = arith.select %eq3A_87, %broadcast_in_dim3A_92, %broadcast_in_dim3A_93 : vector<128x119xi1>, vector<128x119xf32>
    %add3A_95 = arith.addf %add3A_84, %select_n3A_94 : vector<128x119xf32>
    %eq3A_96 = arith.constant 9 : i32
    %eq3A_97 = vector.broadcast %eq3A_96 : i32 to vector<128x119xi32>
    %eq3A_98 = arith.cmpi eq, %sub3A, %eq3A_97 : vector<128x119xi32>
    %get3A_99 = arith.constant 0 : index
    %get3A_100 = arith.constant 9 : index
    %get3A_101 = memref.load %arg0[%get3A_99, %get3A_100] : memref<1x10xf32, #tpu.memory_space<smem>>
    %jit3A_102 = arith.constant 0.000000e+00 : f32
    %broadcast_in_dim3A_103 = vector.broadcast %get3A_101 : f32 to vector<128x119xf32>
    %broadcast_in_dim3A_104 = vector.broadcast %jit3A_102 : f32 to vector<128x119xf32>
    %select_n3A_105 = arith.select %eq3A_98, %broadcast_in_dim3A_103, %broadcast_in_dim3A_104 : vector<128x119xi1>, vector<128x119xf32>
    %add3A_106 = arith.addf %add3A_95, %select_n3A_105 : vector<128x119xf32>
    %get3A_107 = arith.constant 0 : index
    %get3A_108 = arith.constant 0 : index
    %get3A_109 = vector.load %arg2[%get3A_107, %get3A_108] : memref<10000x128xf32, #tpu.memory_space<vmem>>, vector<10000x128xf32>
    %dot_general3A = arith.constant dense<0.000000e+00> : vector<10000x119xf32>
    %dot_general3A_110 = tpu.matmul %get3A_109, %add3A_106, %dot_general3A {dimension_numbers = #tpu.dot_dimension_numbers<[1], [0], [0], [1], [0, 0, 1, 1], [], []>, transpose_lhs_hint = false} : vector<10000x128xf32>, vector<128x119xf32>, vector<10000x119xf32> -> vector<10000x119xf32>
    %get3A_111 = arith.constant 0 : index
    %get3A_112 = arith.constant 0 : index
    %get3A_113 = memref.load %arg1[%get3A_111, %get3A_112] : memref<1x1xf32, #tpu.memory_space<smem>>
    %add3A_114 = vector.broadcast %get3A_113 : f32 to vector<10000x119xf32>
    %add3A_115 = arith.addf %dot_general3A_110, %add3A_114 : vector<10000x119xf32>
    %get3A_116 = arith.constant 0 : index
    %get3A_117 = arith.constant 0 : index
    %get3A_118 = vector.load %arg3[%get3A_116, %get3A_117] : memref<119x64xf32, #tpu.memory_space<vmem>>, vector<119x64xf32>
    %dot_general3A_119 = arith.constant dense<0.000000e+00> : vector<10000x64xf32>
    %dot_general3A_120 = tpu.matmul %add3A_115, %get3A_118, %dot_general3A_119 {dimension_numbers = #tpu.dot_dimension_numbers<[1], [0], [0], [1], [0, 0, 1, 1], [], []>, transpose_lhs_hint = false} : vector<10000x119xf32>, vector<119x64xf32>, vector<10000x64xf32> -> vector<10000x64xf32>
    %swap3A = arith.constant 0 : index
    %swap3A_121 = arith.constant 0 : index
    %swap3A_122 = vector.load %arg5[%swap3A, %swap3A_121] : memref<10000x64xf32, #tpu.memory_space<vmem>>, vector<10000x64xf32>
    tpu.vector_store %arg5[%swap3A, %swap3A_121], %dot_general3A_120 {strides = array<i32>} : memref<10000x64xf32, #tpu.memory_space<vmem>>, vector<10000x64xf32>,
    %get3A_123 = arith.constant 0 : index
    %get3A_124 = arith.constant 0 : index
    %get3A_125 = vector.load %arg4[%get3A_123, %get3A_124] : memref<119x64xf32, #tpu.memory_space<vmem>>, vector<119x64xf32>
    %dot_general3A_126 = arith.constant dense<0.000000e+00> : vector<10000x64xf32>
    %dot_general3A_127 = tpu.matmul %add3A_115, %get3A_125, %dot_general3A_126 {dimension_numbers = #tpu.dot_dimension_numbers<[1], [0], [0], [1], [0, 0, 1, 1], [], []>, transpose_lhs_hint = false} : vector<10000x119xf32>, vector<119x64xf32>, vector<10000x64xf32> -> vector<10000x64xf32>
    %swap3A_128 = arith.constant 0 : index
    %swap3A_129 = arith.constant 0 : index
    %swap3A_130 = vector.load %arg6[%swap3A_128, %swap3A_129] : memref<10000x72xf32, #tpu.memory_space<vmem>>, vector<10000x64xf32>
    tpu.vector_store %arg6[%swap3A_128, %swap3A_129], %dot_general3A_127 {strides = array<i32>} : memref<10000x72xf32, #tpu.memory_space<vmem>>, vector<10000x64xf32>,
    %iota3A_131 = tpu.iota {dimensions = array<i32: 1>} : vector<10000x8xi32>
    %eq3A_132 = arith.constant 0 : i32
    %eq3A_133 = vector.broadcast %eq3A_132 : i32 to vector<10000x8xi32>
    %eq3A_134 = arith.cmpi eq, %iota3A_131, %eq3A_133 : vector<10000x8xi32>
    %jit3A_135 = arith.constant 1.000000e+00 : f32
    %jit3A_136 = arith.constant 0.000000e+00 : f32
    %broadcast_in_dim3A_137 = vector.broadcast %jit3A_135 : f32 to vector<10000x8xf32>
    %broadcast_in_dim3A_138 = vector.broadcast %jit3A_136 : f32 to vector<10000x8xf32>
    %select_n3A_139 = arith.select %eq3A_134, %broadcast_in_dim3A_137, %broadcast_in_dim3A_138 : vector<10000x8xi1>, vector<10000x8xf32>
    %swap3A_140 = arith.constant 0 : index
    %swap3A_141 = arith.constant 64 : index
    %swap3A_142 = vector.load %arg6[%swap3A_140, %swap3A_141] : memref<10000x72xf32, #tpu.memory_space<vmem>>, vector<10000x8xf32>
    tpu.vector_store %arg6[%swap3A_140, %swap3A_141], %select_n3A_139 {strides = array<i32>} : memref<10000x72xf32, #tpu.memory_space<vmem>>, vector<10000x8xf32>,
    return
  }
}

module attributes {stable_mosaic.version = 14 : i64} {
  func.func @_mid_body(%arg0: memref<10000x64xf32, #tpu.memory_space<vmem>>, %arg1: memref<20480x128xf32, #tpu.memory_space<vmem>>, %arg2: memref<1x64xf32, #tpu.memory_space<vmem>>, %arg3: memref<64x32xf32, #tpu.memory_space<vmem>>, %arg4: memref<64x32xf32, #tpu.memory_space<vmem>>, %arg5: memref<10000x32xf32, #tpu.memory_space<vmem>>, %arg6: memref<10000x32xf32, #tpu.memory_space<vmem>>, %arg7: memref<10000x1xf32, #tpu.memory_space<vmem>>) attributes {dimension_semantics = [], scalar_prefetch = 0 : i64, scratch_operands = 0 : i64, tpu.core_type = #tpu.core_type<tc>} {
    %get3A = arith.constant 0 : index
    %get3A_0 = arith.constant 0 : index
    %get3A_1 = vector.load %arg1[%get3A, %get3A_0] : memref<20480x128xf32, #tpu.memory_space<vmem>>, vector<10000x128xf32>
    %get3A_2 = arith.constant 10240 : index
    %get3A_3 = arith.constant 0 : index
    %get3A_4 = vector.load %arg1[%get3A_2, %get3A_3] : memref<20480x128xf32, #tpu.memory_space<vmem>>, vector<10000x128xf32>
    %add3A = arith.addf %get3A_1, %get3A_4 : vector<10000x128xf32>
    %slice3A = vector.extract_strided_slice %add3A {offsets = [0, 0], sizes = [10000, 64], strides = [1, 1]} : vector<10000x128xf32> to vector<10000x64xf32>
    %slice3A_5 = vector.extract_strided_slice %add3A {offsets = [0, 64], sizes = [10000, 1], strides = [1, 1]} : vector<10000x128xf32> to vector<10000x1xf32>
    %max3A = arith.constant 1.000000e+00 : f32
    %max3A_6 = vector.broadcast %max3A : f32 to vector<10000x1xf32>
    %max3A_7 = arith.maximumf %slice3A_5, %max3A_6 : vector<10000x1xf32>
    %div3A = arith.constant 1.000000e+00 : f32
    %div3A_8 = vector.broadcast %div3A : f32 to vector<10000x1xf32>
    %div3A_9 = arith.divf %div3A_8, %max3A_7 : vector<10000x1xf32>
    %get3A_10 = arith.constant 0 : index
    %get3A_11 = arith.constant 0 : index
    %get3A_12 = vector.load %arg0[%get3A_10, %get3A_11] : memref<10000x64xf32, #tpu.memory_space<vmem>>, vector<10000x64xf32>
    %mul3A = vector.broadcast %div3A_9 : vector<10000x1xf32> to vector<10000x64xf32>
    %mul3A_13 = arith.mulf %slice3A, %mul3A : vector<10000x64xf32>
    %add3A_14 = arith.addf %get3A_12, %mul3A_13 : vector<10000x64xf32>
    %get3A_15 = arith.constant 0 : index
    %get3A_16 = arith.constant 0 : index
    %get3A_17 = vector.load %arg2[%get3A_15, %get3A_16] : memref<1x64xf32, #tpu.memory_space<vmem>>, vector<1x64xf32>
    %add3A_18 = vector.broadcast %get3A_17 : vector<1x64xf32> to vector<10000x64xf32>
    %add3A_19 = arith.addf %add3A_14, %add3A_18 : vector<10000x64xf32>
    %max3A_20 = arith.constant 0.000000e+00 : f32
    %max3A_21 = vector.broadcast %max3A_20 : f32 to vector<10000x64xf32>
    %max3A_22 = arith.maximumf %add3A_19, %max3A_21 : vector<10000x64xf32>
    %get3A_23 = arith.constant 0 : index
    %get3A_24 = arith.constant 0 : index
    %get3A_25 = vector.load %arg3[%get3A_23, %get3A_24] : memref<64x32xf32, #tpu.memory_space<vmem>>, vector<64x32xf32>
    %dot_general3A = arith.constant dense<0.000000e+00> : vector<10000x32xf32>
    %dot_general3A_26 = tpu.matmul %max3A_22, %get3A_25, %dot_general3A {dimension_numbers = #tpu.dot_dimension_numbers<[1], [0], [0], [1], [0, 0, 1, 1], [], []>, transpose_lhs_hint = false} : vector<10000x64xf32>, vector<64x32xf32>, vector<10000x32xf32> -> vector<10000x32xf32>
    %swap3A = arith.constant 0 : index
    %swap3A_27 = arith.constant 0 : index
    %swap3A_28 = vector.load %arg5[%swap3A, %swap3A_27] : memref<10000x32xf32, #tpu.memory_space<vmem>>, vector<10000x32xf32>
    tpu.vector_store %arg5[%swap3A, %swap3A_27], %dot_general3A_26 {strides = array<i32>} : memref<10000x32xf32, #tpu.memory_space<vmem>>, vector<10000x32xf32>,
    %get3A_29 = arith.constant 0 : index
    %get3A_30 = arith.constant 0 : index
    %get3A_31 = vector.load %arg4[%get3A_29, %get3A_30] : memref<64x32xf32, #tpu.memory_space<vmem>>, vector<64x32xf32>
    %dot_general3A_32 = arith.constant dense<0.000000e+00> : vector<10000x32xf32>
    %dot_general3A_33 = tpu.matmul %max3A_22, %get3A_31, %dot_general3A_32 {dimension_numbers = #tpu.dot_dimension_numbers<[1], [0], [0], [1], [0, 0, 1, 1], [], []>, transpose_lhs_hint = false} : vector<10000x64xf32>, vector<64x32xf32>, vector<10000x32xf32> -> vector<10000x32xf32>
    %swap3A_34 = arith.constant 0 : index
    %swap3A_35 = arith.constant 0 : index
    %swap3A_36 = vector.load %arg6[%swap3A_34, %swap3A_35] : memref<10000x32xf32, #tpu.memory_space<vmem>>, vector<10000x32xf32>
    tpu.vector_store %arg6[%swap3A_34, %swap3A_35], %dot_general3A_33 {strides = array<i32>} : memref<10000x32xf32, #tpu.memory_space<vmem>>, vector<10000x32xf32>,
    %swap3A_37 = arith.constant 0 : index
    %swap3A_38 = arith.constant 0 : index
    %swap3A_39 = vector.load %arg7[%swap3A_37, %swap3A_38] : memref<10000x1xf32, #tpu.memory_space<vmem>>, vector<10000x1xf32>
    tpu.vector_store %arg7[%swap3A_37, %swap3A_38], %div3A_9 {strides = array<i32>} : memref<10000x1xf32, #tpu.memory_space<vmem>>, vector<10000x1xf32>,
    return
  }
}

module attributes {stable_mosaic.version = 14 : i64} {
  func.func @_tail_body(%arg0: memref<10000x32xf32, #tpu.memory_space<vmem>>, %arg1: memref<20480x128xf32, #tpu.memory_space<vmem>>, %arg2: memref<10000x1xf32, #tpu.memory_space<vmem>>, %arg3: memref<1x32xf32, #tpu.memory_space<vmem>>, %arg4: memref<32x16xf32, #tpu.memory_space<vmem>>, %arg5: memref<1x16xf32, #tpu.memory_space<vmem>>, %arg6: memref<16x8xf32, #tpu.memory_space<vmem>>, %arg7: memref<1x8xf32, #tpu.memory_space<vmem>>, %arg8: memref<1x8xf32, #tpu.memory_space<vmem>>, %arg9: memref<1x1xf32, #tpu.memory_space<vmem>>, %arg10: memref<10000x1xf32, #tpu.memory_space<vmem>>) attributes {dimension_semantics = [], scalar_prefetch = 0 : i64, scratch_operands = 0 : i64, tpu.core_type = #tpu.core_type<tc>} {
    %get3A = arith.constant 0 : index
    %get3A_0 = arith.constant 0 : index
    %get3A_1 = vector.load %arg1[%get3A, %get3A_0] : memref<20480x128xf32, #tpu.memory_space<vmem>>, vector<10000x128xf32>
    %get3A_2 = arith.constant 10240 : index
    %get3A_3 = arith.constant 0 : index
    %get3A_4 = vector.load %arg1[%get3A_2, %get3A_3] : memref<20480x128xf32, #tpu.memory_space<vmem>>, vector<10000x128xf32>
    %add3A = arith.addf %get3A_1, %get3A_4 : vector<10000x128xf32>
    %slice3A = vector.extract_strided_slice %add3A {offsets = [0, 0], sizes = [10000, 32], strides = [1, 1]} : vector<10000x128xf32> to vector<10000x32xf32>
    %get3A_5 = arith.constant 0 : index
    %get3A_6 = arith.constant 0 : index
    %get3A_7 = vector.load %arg0[%get3A_5, %get3A_6] : memref<10000x32xf32, #tpu.memory_space<vmem>>, vector<10000x32xf32>
    %get3A_8 = arith.constant 0 : index
    %get3A_9 = arith.constant 0 : index
    %get3A_10 = vector.load %arg2[%get3A_8, %get3A_9] : memref<10000x1xf32, #tpu.memory_space<vmem>>, vector<10000x1xf32>
    %mul3A = vector.broadcast %get3A_10 : vector<10000x1xf32> to vector<10000x32xf32>
    %mul3A_11 = arith.mulf %slice3A, %mul3A : vector<10000x32xf32>
    %add3A_12 = arith.addf %get3A_7, %mul3A_11 : vector<10000x32xf32>
    %get3A_13 = arith.constant 0 : index
    %get3A_14 = arith.constant 0 : index
    %get3A_15 = vector.load %arg3[%get3A_13, %get3A_14] : memref<1x32xf32, #tpu.memory_space<vmem>>, vector<1x32xf32>
    %add3A_16 = vector.broadcast %get3A_15 : vector<1x32xf32> to vector<10000x32xf32>
    %add3A_17 = arith.addf %add3A_12, %add3A_16 : vector<10000x32xf32>
    %max3A = arith.constant 0.000000e+00 : f32
    %max3A_18 = vector.broadcast %max3A : f32 to vector<10000x32xf32>
    %max3A_19 = arith.maximumf %add3A_17, %max3A_18 : vector<10000x32xf32>
    %get3A_20 = arith.constant 0 : index
    %get3A_21 = arith.constant 0 : index
    %get3A_22 = vector.load %arg4[%get3A_20, %get3A_21] : memref<32x16xf32, #tpu.memory_space<vmem>>, vector<32x16xf32>
    %dot_general3A = arith.constant dense<0.000000e+00> : vector<10000x16xf32>
    %dot_general3A_23 = tpu.matmul %max3A_19, %get3A_22, %dot_general3A {dimension_numbers = #tpu.dot_dimension_numbers<[1], [0], [0], [1], [0, 0, 1, 1], [], []>, transpose_lhs_hint = false} : vector<10000x32xf32>, vector<32x16xf32>, vector<10000x16xf32> -> vector<10000x16xf32>
    %get3A_24 = arith.constant 0 : index
    %get3A_25 = arith.constant 0 : index
    %get3A_26 = vector.load %arg5[%get3A_24, %get3A_25] : memref<1x16xf32, #tpu.memory_space<vmem>>, vector<1x16xf32>
    %add3A_27 = vector.broadcast %get3A_26 : vector<1x16xf32> to vector<10000x16xf32>
    %add3A_28 = arith.addf %dot_general3A_23, %add3A_27 : vector<10000x16xf32>
    %max3A_29 = arith.constant 0.000000e+00 : f32
    %max3A_30 = vector.broadcast %max3A_29 : f32 to vector<10000x16xf32>
    %max3A_31 = arith.maximumf %add3A_28, %max3A_30 : vector<10000x16xf32>
    %get3A_32 = arith.constant 0 : index
    %get3A_33 = arith.constant 0 : index
    %get3A_34 = vector.load %arg6[%get3A_32, %get3A_33] : memref<16x8xf32, #tpu.memory_space<vmem>>, vector<16x8xf32>
    %dot_general3A_35 = arith.constant dense<0.000000e+00> : vector<10000x8xf32>
    %dot_general3A_36 = tpu.matmul %max3A_31, %get3A_34, %dot_general3A_35 {dimension_numbers = #tpu.dot_dimension_numbers<[1], [0], [0], [1], [0, 0, 1, 1], [], []>, transpose_lhs_hint = false} : vector<10000x16xf32>, vector<16x8xf32>, vector<10000x8xf32> -> vector<10000x8xf32>
    %get3A_37 = arith.constant 0 : index
    %get3A_38 = arith.constant 0 : index
    %get3A_39 = vector.load %arg7[%get3A_37, %get3A_38] : memref<1x8xf32, #tpu.memory_space<vmem>>, vector<1x8xf32>
    %add3A_40 = vector.broadcast %get3A_39 : vector<1x8xf32> to vector<10000x8xf32>
    %add3A_41 = arith.addf %dot_general3A_36, %add3A_40 : vector<10000x8xf32>
    %max3A_42 = arith.constant 0.000000e+00 : f32
    %max3A_43 = vector.broadcast %max3A_42 : f32 to vector<10000x8xf32>
    %max3A_44 = arith.maximumf %add3A_41, %max3A_43 : vector<10000x8xf32>
    %get3A_45 = arith.constant 0 : index
    %get3A_46 = arith.constant 0 : index
    %get3A_47 = vector.load %arg8[%get3A_45, %get3A_46] : memref<1x8xf32, #tpu.memory_space<vmem>>, vector<1x8xf32>
    %mul3A_48 = vector.broadcast %get3A_47 : vector<1x8xf32> to vector<10000x8xf32>
    %mul3A_49 = arith.mulf %max3A_44, %mul3A_48 : vector<10000x8xf32>
    %reduce_sum3A = arith.constant dense<0.000000e+00> : vector<10000xf32>
    %reduce_sum3A_50 = vector.multi_reduction <add>, %mul3A_49, %reduce_sum3A [1] : vector<10000x8xf32> to vector<10000xf32>
    %broadcast_in_dim3A = vector.shape_cast %reduce_sum3A_50 : vector<10000xf32> to vector<10000x1xf32>
    %get3A_51 = arith.constant 0 : index
    %get3A_52 = arith.constant 0 : index
    %get3A_53 = vector.load %arg9[%get3A_51, %get3A_52] : memref<1x1xf32, #tpu.memory_space<vmem>>, vector<1x1xf32>
    %add3A_54 = vector.broadcast %get3A_53 : vector<1x1xf32> to vector<10000x1xf32>
    %add3A_55 = arith.addf %broadcast_in_dim3A, %add3A_54 : vector<10000x1xf32>
    %swap3A = arith.constant 0 : index
    %swap3A_56 = arith.constant 0 : index
    %swap3A_57 = vector.load %arg10[%swap3A, %swap3A_56] : memref<10000x1xf32, #tpu.memory_space<vmem>>, vector<10000x1xf32>
    tpu.vector_store %arg10[%swap3A, %swap3A_56], %add3A_55 {strides = array<i32>} : memref<10000x1xf32, #tpu.memory_space<vmem>>, vector<10000x1xf32>,
    return
  }
}

</mosaic_0001>

<sc_bundles>
// kernel: kernel.10.cloned.1.call-start
scs
__scs_entry_jumppad:
0x0: {  	(pc) =	sbr.rel $0x88, $3  }
0x1: {  	(tag) =	ssettag $0x0;
	lr =	simm.s32 $0x1  }
0x2: {  	[smem:$0x3F91] =	sst lr;
	_ =	strace $0xD0000000  }
0x3: {  	_ = 	snop  }
0x4: {  	_ = 	snop  }
0x5: {  	_ = 	snop  }
0x6: {  	_ = 	snop  }
0x7: {  	_ = 	snop  }
__scs_overlays_trampoline_lowered:
0x8: {  	[smem:$0x3FA0] =	sst s0  }
0x9: {  	[smem:$0x3FA1] =	sst s1  }
0xa: {  	[smem:$0x3FA2] =	sst s2  }
0xb: {  	[smem:$0x3FA3] =	sst s3  }
0xc: {  	[smem:$0x3FA4] =	sst s4  }
0xd: {  	[smem:$0x3FA5] =	sst s5  }
0xe: {  	[smem:$0x3FA6] =	sst s6  }
0xf: {  	[smem:$0x3FA7] =	sst s7  }
0x10: {  	[smem:$0x3FA8] =	sst s8  }
0x11: {  	[smem:$0x3FA9] =	sst s9;
	s0 =	simm.s32 @!p0 $0x0  }
0x12: {  	s1 =	sld [smem:$0x3F8F];
	s0 =	simm.s32 @p0 $0x1  }
0x13: {  	[smem:$0x3FAA] =	sst s0;
	s0 =	simm.s32 @!p1 $0x0  }
0x14: {  	s2 =	sld [smem:$0x3F8E];
	s0 =	simm.s32 @p1 $0x1  }
0x15: {  	[smem:$0x3FAB] =	sst s0;
	s0 =	simm.s32 @!p2 $0x0  }
0x16: {  	s3 =	sld [smem:$0x3FDB];
	s0 =	simm.s32 @p2 $0x1  }
0x17: {  	s4 =	simm.s32 $0x1BF5;
	[smem:$0x3FAD] =	sst s0  }
0x18: {  	s0 =	sld [smem:$0x3F90];
	_ =	swait.ge [sflag:s4], $0x0  }
0x19: {  	s7 =	sld [smem:$0x3F91]  }
0x1a: {  	s8 =	sadd.s32 $0xFFFFE003, lr  }
0x1b: {  	s9 =	sadd.s32 $0xFFFFFEF7, lr;
	s5 =	simm.s32 $0xFFFFFFFF;
	p2 =	slt.u32 s8, $0xFFFFF086  }
0x1c: {  	p1 =	slt.u32 s9, $0xF7A;
	s5 =	simm.s32 @!p2 $0x0  }
0x1d: {  	s5 =	simm.s32 @p1 $0x1;
	p0 =	seq.s32 s7, s2  }
0x1e: {  	s7 =	smul.u32 @!p0 $0xF7A, s2;
	p2 =	seq.s32 @!p0 s5, $0x0  }
0x1f: {  	s9 =	smul.u32 $0xF7A, s1;
	s8 =	simm.s32 @!p0 $0x1BF5;
	p2 =	por !p2, p0  }
0x20: {  	[sflag:s8] =	ssyncset.s32 @!p0 $0xFFFFF086;
	s6 =	sadd.s32 @!p0 s3, s7;
	s7 =	simm.s32 @!p0 $0x108  }
0x21: {  	s3 =	sadd.s32 s3, s9;
	s6 =	sadd.s32 @!p0 $0x88, s6;
	s7 =	simm.s32 @p2 $0x1082  }
0x22: {  	[simem:s7], [sflag:s8] =	dma.local @!p0 [hbm:s6], $0xF7A  }
0x23: {  	s9 =	sor.u32 $0xD0000000, s2;
	s6 =	simm.s32 $0x108;
	_ =	swait.ge @!p0 [sflag:s8], $0x0  }
0x24: {  	s3 =	sadd.s32 $0x88, s3;
	s6 =	simm.s32 @!p1 $0x1082;
	[sflag:s4] =	ssyncset.s32 $0xFFFFF086  }
0x25: {  	[simem:s6], [sflag:s4] =	dma.local [hbm:s3], $0xF7A  }
0x26: {  	[smem:$0x3F91] =	sst s1;
	(tag) =	ssettag s2;
	_ =	strace s9  }
0x27: {  	s1 =	sld [smem:$0x3FA1]  }
0x28: {  	s2 =	sld [smem:$0x3FA2]  }
0x29: {  	s4 =	sld [smem:$0x3FA4]  }
0x2a: {  	p0 =	seq.s32 s5, $0x0;
	s5 =	sld [smem:$0x3FA5]  }
0x2b: {  	s6 =	sld [smem:$0x3FA6]  }
0x2c: {  	s7 =	sld [smem:$0x3FA7]  }
0x2d: {  	s3 =	simm.s32 $0x108;
	s8 =	sld [smem:$0x3FA8]  }
0x2e: {  	s3 =	simm.s32 @!p0 $0x1082;
	s9 =	sld [smem:$0x3FA9]  }
0x2f: {  	lr =	sadd.s32 s0, s3;
	s0 =	sld [smem:$0x3FA0]  }
0x30: {  	s3 =	sld [smem:$0x3FA3]  }
0x31: {  	[smem:$0x3FAC] =	sst s10  }
0x32: {  	s10 =	sld [smem:$0x3FAA];
	_ =	sdelay $0x3  }
0x33: {  	p0 =	seq.s32 s10, $0x1;
	s10 =	sld [smem:$0x3FAC];
	_ =	sdelay $0x3  }
0x34: {  	[smem:$0x3FAC] =	sst s10  }
0x35: {  	s10 =	sld [smem:$0x3FAB];
	_ =	sdelay $0x3  }
0x36: {  	p1 =	seq.s32 s10, $0x1;
	s10 =	sld [smem:$0x3FAC];
	_ =	sdelay $0x3  }
0x37: {  	[smem:$0x3FAC] =	sst s10  }
0x38: {  	s10 =	sld [smem:$0x3FAD]  }
0x39: {  	_ = 	snop;
	(pc) =	sbr.ind lr, $3  }
0x3a: {  	_ = 	snop  }
0x3b: {  	_ = 	snop  }
0x3c: {  	p2 =	seq.s32 s10, $0x1;
	s10 =	sld [smem:$0x3FAC]  }
0x3d: {  	_ =	shalt  }
0x3e: {  	_ =	shalt  }
0x3f: {  	_ =	shalt  }
0x40: {  	_ =	shalt  }
0x41: {  	_ =	shalt  }
0x42: {  	_ =	shalt  }
0x43: {  	_ =	shalt  }
0x44: {  	_ =	shalt  }
0x45: {  	_ =	shalt  }
0x46: {  	_ =	shalt  }
0x47: {  	_ =	shalt  }
0x48: {  	_ =	shalt  }
0x49: {  	_ =	shalt  }
0x4a: {  	_ =	shalt  }
0x4b: {  	_ =	shalt  }
0x4c: {  	_ =	shalt  }
0x4d: {  	_ =	shalt  }
0x4e: {  	_ =	shalt  }
0x4f: {  	_ =	shalt  }
0x50: {  	_ =	shalt  }
0x51: {  	_ =	shalt  }
0x52: {  	_ =	shalt  }
0x53: {  	_ =	shalt  }
0x54: {  	_ =	shalt  }
0x55: {  	_ =	shalt  }
0x56: {  	_ =	shalt  }
0x57: {  	_ =	shalt  }
0x58: {  	_ =	shalt  }
0x59: {  	_ =	shalt  }
0x5a: {  	_ =	shalt  }
0x5b: {  	_ =	shalt  }
0x5c: {  	_ =	shalt  }
0x5d: {  	_ =	shalt  }
0x5e: {  	_ =	shalt  }
0x5f: {  	_ =	shalt  }
0x60: {  	_ =	shalt  }
0x61: {  	_ =	shalt  }
0x62: {  	_ =	shalt  }
0x63: {  	_ =	shalt  }
0x64: {  	_ =	shalt  }
0x65: {  	_ =	shalt  }
0x66: {  	_ =	shalt  }
0x67: {  	_ =	shalt  }
0x68: {  	_ =	shalt  }
0x69: {  	_ =	shalt  }
0x6a: {  	_ =	shalt  }
0x6b: {  	_ =	shalt  }
0x6c: {  	_ =	shalt  }
0x6d: {  	_ =	shalt  }
0x6e: {  	_ =	shalt  }
0x6f: {  	_ =	shalt  }
0x70: {  	_ =	shalt  }
0x71: {  	_ =	shalt  }
0x72: {  	_ =	shalt  }
0x73: {  	_ =	shalt  }
0x74: {  	_ =	shalt  }
0x75: {  	_ =	shalt  }
0x76: {  	_ =	shalt  }
0x77: {  	_ =	shalt  }
0x78: {  	_ =	shalt  }
0x79: {  	_ =	shalt  }
0x7a: {  	_ =	shalt  }
0x7b: {  	_ =	shalt  }
0x7c: {  	_ =	shalt  }
0x7d: {  	_ =	shalt  }
0x7e: {  	_ =	shalt  }
0x7f: {  	_ =	shalt  }
0x80: {  	_ =	shalt  }
0x81: {  	_ =	shalt  }
0x82: {  	_ =	shalt  }
0x83: {  	_ =	shalt  }
0x84: {  	_ =	shalt  }
0x85: {  	_ =	shalt  }
0x86: {  	_ =	shalt  }
0x87: {  	_ =	shalt  }
.Lfunc_end0:
.L_simem_size_0:
called_computation.1_lowered:
.L_overlay_start_0:
0x88: {  	s2 =	sld [smem:$0x3FD9]  }
0x89: {  	s3 =	sld [smem:$0x3FFE];
	_ =	sdelay $0x1  }
0x8a: {  	s1 =	srdreg.scid  }
0x8b: {  	s0 =	sand.u32 $0x1, s1  }
0x8c: {  	s16 =	sshll.u32 s0, $0xA;
	s2 =	sadd.s32 s3, s2  }
0x8d: {  	s2 =	sadd.s32 s2, s16  }
0x8e: {  	[smem:$0x3FB8] =	sst s2  }
0x8f: {  	_ = 	snop  }
0x90: {  	(tm) =	ssettm $0x1  }
0x91: {  	s17 =	sld [smem:$0x3FFB];
	_ =	sdelay $0x3  }
0x92: {  	_ =	strace s17  }
0x93: {  	s2 =	sld [smem:$0x3FFC];
	_ =	sdelay $0x3  }
0x94: {  	_ =	strace s2  }
0x95: {  	s2 =	sld [smem:$0x3FFD];
	_ =	sdelay $0x3  }
0x96: {  	_ =	strace s2  }
0x97: {  	_ =	strace $0x8FFFFFFF  }
0x98: {  	s18 =	sld [smem:$0x3FDB];
	_ =	sdelay $0x1  }
0x99: {  	s19 =	simm.s32 $_scs_section_size  }
0x9a: {  	s4 =	simm.s32 $_size__tile_overlayer_lowered;
	s5 =	simm.s32 $_tile_overlayer_lowered  }
0x9b: {  	s22 =	simm.s32 $0x1BFF;
	s21 =	sshll.u32 s5, $0x1;
	s2 =	sadd.s32 s19, s18  }
0x9c: {  	s6 =	simm.s32 $0x0;
	s20 =	sshll.u32 s4, $0x1;
	s4 =	sadd.s32 s21, s2  }
0x9d: {  	[timem:s6], [sflag:s22] =	dma.local [hbm:s4], s20  }
0x9e: {  	_ =	swait.ge [sflag:s22], s20  }
0x9f: {  	s3 =	ssub.s32 $0x0, s20;
	[sflag:s22] =	ssyncset.done $0x0  }
0xa0: {  	[sflag:s22] =	ssyncadd.s32 s3;
	_ =	sdelay $0x1  }
0xa1: {  	s23 =	simm.s32 $0x1B8B  }
0xa2: {  	_ =	swait.ge [sflag:s23], $0x1  }
0xa3: {  	[sflag:s23] =	ssyncset.done $0x0  }
0xa4: {  	s25 =	simm.s32 $0x1B8E;
	s24 =	sld [smem:$0x3FFE];
	[sflag:s23] =	ssyncadd.s32 $0xFFFFFFFF  }
0xa5: {  	s26 =	simm.s32 $execute0_lowered;
	[smem:$0x3FD2] =	sst s25  }
0xa6: {  	s4 =	sshll.u32 s26, $0x1;
	_ =	strace $0x80000049;
	[dreg:$0x1] =	wrdreg $0xFFFFFFFF  }
0xa7: {  	s28 =	simm.s32 $_size_execute0_lowered;
	s2 =	sadd.s32 s2, s4;
	[dreg:$0x0] =	wrdreg $0x0  }
0xa8: {  	s4 =	sshll.u32 s28, $0x1;
	[dreg:$0x2] =	wrdreg s2  }
0xa9: {  	[dreg:$0x3] =	wrdreg s4  }
0xaa: {  	[dreg:$0x4] =	wrdreg $0xC0  }
0xab: {  	_ =	task [dreg:s6], $0x5FFFF  }
0xac: {  	[dreg:$0x1] =	wrdreg $0xFFFFFFFF  }
0xad: {  	[dreg:$0x0] =	wrdreg $0x60  }
0xae: {  	[dreg:$0x2] =	wrdreg s24  }
0xaf: {  	[dreg:$0x3] =	wrdreg $0xC0200  }
0xb0: {  	[dreg:$0x4] =	wrdreg $0x9  }
0xb1: {  	_ =	task.clear_ibuf [dreg:s6], $0x5FFFF;
	_ =	strace $0x90000049  }
0xb2: {  	s29 =	simm.s32 $0x9;
	_ =	strace $0x8000004B  }
0xb3: {  	_ =	swait.ge [sflag:s29], $0x1  }
0xb4: {  	[sflag:s29] =	ssyncadd.s32 $0xFFFFFFFF  }
0xb5: {  	_ =	strace $0x9000004B  }
0xb6: {  	_ =	sfence  }
0xb7: {  	s30 =	sld [smem:$0x0];
	_ =	sdelay $0x2  }
0xb8: {  	s31 =	sshll.u32 s1, $0xD;
	s1 =	sshrl.u32 s1, $0x2  }
0xb9: {  	s3 =	sand.u32 $0x4000, s31;
	s1 =	sadd.s32 s1, s30  }
0xba: {  	s0 =	sor.u32 s3, s0;
	s1 =	sshll.u32 s1, $0x11  }
0xbb: {  	s0 =	sor.u32 s1, s0  }
0xbc: {  	s0 =	sadd.s32 $0x8F2B, s0  }
0xbd: {  	[sflag:s0] =	ssyncadd.remote.s32 $0x1  }
0xbe: {  	_ =	sfence.sel $0xFFFF  }
0xbf: {  	[dreg:$0x0] =	wrdreg $0xFFFFFFFF;
	(pc) =	sbr.abs _section_cstart, $3  }
0xc0: {  	[dreg:$0x1] =	wrdreg $0xFFFFFFFF  }
0xc1: {  	_ =	task.clear_ibuf [dreg:s6], $0x2FFFF;
	_ =	strace $0x9FFFFFFF  }
0xc2: {  	(tm) =	ssettm $0x7FFFFFFF  }
0xc3: {  	_ =	shalt  }
tec
execute0_lowered:
.L_overlay_start_1:
0x0: {  	(tag) =	ssettag $0x1  }
0x1: {  	s0 =	srdreg.scid  }
0x2: {  	s7 =	stileid.u32;
	s5 =	rddreg [dreg:$0x0]  }
0x3: {  	s2 =	rddreg [dreg:$0x1];
	s3 =	simm.s32 $0x0;
	s19 =	simm.s32 $0xC  }
0x4: {  	s20 =	simm.s32 $0x1;
	s28 =	simm.s32 $0x6C20;
	s30 =	simm.s32 $0x7620  }
0x5: {  	s31 =	simm.s32 $0x2;
	s29 =	simm.s32 $0x5;
	s8 =	simm.s32 $0xA  }
0x6: {  	s18 =	simm.s32 $0xB;
	s13 =	simm.s32 $0x0;
	s0 =	sand.u32 $0x1, s0  }
0x7: {  	s4 =	smul.u32 $0x280, s7;
	[smem:$0x7FF] =	sst s3;
	s1 =	sshll.u32 s0, $0x4  }
0x8: {  	s6 =	smul.u32 $0x2800, s0;
	_ =	strace $0x8000004A;
	s0 =	ssub.s32 $0x2, s0  }
0x9: {  	s1 =	sor.u32 s7, s1;
	s7 =	smul.u32 $0x14000, s7;
	s21 =	sshrl.u32 s0, $0x1  }
0xa: {  	s1 =	smul.u32 $0x2710, s1;
	s6 =	sadd.s32 s4, s6;
	s4 =	sadd.s32 $0x2400, s5  }
0xb: {  	s0 =	ssub.s32 s0, s21;
	s21 =	simm.s32 $0x50;
	s6 =	sshll.u32 s6, $0x4  }
0xc: {  	s7 =	sshrl.u32 s7, $0x2;
	s0 =	smax.u32 s0, $0x1;
	s1 =	sshrl.u32 s1, $0x3  }
0xd: {  	[dreg:$0x5] =	wrdreg s0;
	s0 =	simm.s32 $0x7;
	s1 =	sadd.s32 s1, s5  }
0xe: {  	s5 =	sadd.s32 s6, s5;
	s6 =	sadd.s32 s7, s2;
	s22 =	sadd.s32 $0x18400, s1  }
0xf: {  	s7 =	simm.s32 $0x9;
	s1 =	sadd.s32 $0x22040, s1;
	[dreg:$0x3] =	wrdreg s22  }
0x10: {  	s9 =	sadd.s32 $0x1000, s6;
	s23 =	sadd.s32 $0x2BE00, s5;
	[dreg:$0x4] =	wrdreg s1  }
0x11: {  	s10 =	sadd.s32 $0x2000, s6;
	s24 =	sadd.s32 $0x2C600, s5;
	[dreg:$0x6] =	wrdreg s23  }
0x12: {  	s11 =	sadd.s32 $0x3000, s6;
	s25 =	sadd.s32 $0x2CE00, s5;
	[dreg:$0x7] =	wrdreg s24  }
0x13: {  	s12 =	sadd.s32 $0x4000, s6;
	s26 =	sadd.s32 $0x2D600, s5;
	[dreg:$0x8] =	wrdreg s25  }
0x14: {  	s17 =	sadd.s32 $0x2DE00, s5;
	s5 =	simm.s32 $0x8;
	[dreg:$0x9] =	wrdreg s26  }
0x15: {  	s22 =	simm.s32 $0x4E20;
	s23 =	simm.s32 $0x5820;
	s25 =	simm.s32 $0x6220  }
0x16: {  	v0 =	vimm.f32 $0.0e+00;
	s1 =	simm.s32 $0x3;
	s24 =	simm.s32 $0x4;
	s26 =	simm.s32 $0x6  }
.LBB2_1:
0x17: {  	s14 =	rddreg [dreg:$0x3]  }
0x18: {  	[tilespmem:s3], [sflag:$0x1] =	stream.linear.gather [hbm4b:s14+s3], $0x2710, $0x38;
	[tilespmem:$0x11020] =	vst v63  }
0x19: {  	s16 =	rddreg [dreg:$0x4];
	s15 =	simm.s32 $0x2710  }
0x1a: {  	[tilespmem:s15], [sflag:$0x1] =	stream.linear.gather [hbm4b:s16+s3], $0x2710, $0x38;
	[tilespmem:$0x11020] =	vst v63  }
0x1b: {  	s14 =	simm.s32 $0x0;
	s15 =	simm.s32 $0x200  }
.LBB2_2:
0x1c: {  	p0 =	sne.s32 s15, $0xFE00;
	[tilespmem:s14+$0x8090] =	vst v0  }
0x1d: {  	[tilespmem:s14+$0x8020] =	vst v0  }
0x1e: {  	[tilespmem:s14+$0x8030] =	vst v0  }
.Ltmp0:
0x1f: {  	[tilespmem:s14+$0x8040] =	vst v0;
	(pc) =	sbr.rel @p0 .LBB2_2-.Ltmp0, $4  }
0x20: {  	[tilespmem:s14+$0x8050] =	vst v0  }
0x21: {  	[tilespmem:s14+$0x8060] =	vst v0  }
0x22: {  	[tilespmem:s14+$0x8070] =	vst v0  }
0x23: {  	[tilespmem:s14+$0x8080] =	vst v0;
	s14 =	sshra.s32 s15, $0x2;
	s15 =	sadd.s32 $0x200, s15  }
0x24: {  	[tilespmem:s14+$0x8090] =	vst v0  }
0x25: {  	[tilespmem:s14+$0x8020] =	vst v0  }
0x26: {  	[tilespmem:s14+$0x8030] =	vst v0  }
0x27: {  	[tilespmem:s14+$0x8040] =	vst v0  }
0x28: {  	[tilespmem:s14+$0x8050] =	vst v0  }
0x29: {  	[tilespmem:s14+$0x8060] =	vst v0  }
0x2a: {  	[tilespmem:s14+$0x8070] =	vst v0  }
0x2b: {  	[tilespmem:s14+$0x8080] =	vst v0;
	s14 =	simm.s32 $0x8020;
	s15 =	sadd.s32 $0x0, s6  }
0x2c: {  	[spmem:s15] =	stream.linear.scatter [tilespmem:s14], [sflag:$0xC], $0x20, $0x38;
	[tilespmem:$0x11020] =	vst v63  }
0x2d: {  	s15 =	simm.s32 $0x80  }
.LBB2_4:
0x2e: {  	p0 =	sne.s32 s15, $0x3F80  }
.Ltmp1:
0x2f: {  	_ = 	snop;
	(pc) =	sbr.rel @p0 .LBB2_4-.Ltmp1, $4  }
0x30: {  	_ = 	snop  }
0x31: {  	s16 =	sshra.s32 s15, $0x2;
	s15 =	sadd.s32 $0x80, s15  }
0x32: {  	s14 =	sadd.s32 $0x80, s14;
	s16 =	sadd.s32 s16, s6  }
0x33: {  	[spmem:s16] =	stream.linear.scatter [tilespmem:s14], [sflag:$0xC], $0x20, $0x38;
	[tilespmem:$0x11020] =	vst v63  }
0x34: {  	_ =	swait.ge [sflag:s19], $0x1000  }
0x35: {  	[sflag:s19] =	ssyncset.done $0x0  }
0x36: {  	s14 =	simm.s32 $0x8020;
	s15 =	sadd.s32 $0x0, s9;
	[sflag:s19] =	ssyncadd.s32 $0xFFFFF000  }
0x37: {  	[spmem:s15] =	stream.linear.scatter [tilespmem:s14], [sflag:$0xC], $0x20, $0x38;
	[tilespmem:$0x11020] =	vst v63  }
0x38: {  	s15 =	simm.s32 $0x80  }
.LBB2_6:
0x39: {  	p0 =	sne.s32 s15, $0x3F80  }
.Ltmp2:
0x3a: {  	_ = 	snop;
	(pc) =	sbr.rel @p0 .LBB2_6-.Ltmp2, $4  }
0x3b: {  	_ = 	snop  }
0x3c: {  	s16 =	sshra.s32 s15, $0x2;
	s15 =	sadd.s32 $0x80, s15  }
0x3d: {  	s14 =	sadd.s32 $0x80, s14;
	s16 =	sadd.s32 s16, s9  }
0x3e: {  	[spmem:s16] =	stream.linear.scatter [tilespmem:s14], [sflag:$0xC], $0x20, $0x38;
	[tilespmem:$0x11020] =	vst v63  }
0x3f: {  	_ =	swait.ge [sflag:s19], $0x1000  }
0x40: {  	[sflag:s19] =	ssyncset.done $0x0  }
0x41: {  	s14 =	simm.s32 $0x8020;
	s15 =	sadd.s32 $0x0, s10;
	[sflag:s19] =	ssyncadd.s32 $0xFFFFF000  }
0x42: {  	[spmem:s15] =	stream.linear.scatter [tilespmem:s14], [sflag:$0xC], $0x20, $0x38;
	[tilespmem:$0x11020] =	vst v63  }
0x43: {  	s15 =	simm.s32 $0x80  }
.LBB2_8:
0x44: {  	p0 =	sne.s32 s15, $0x3F80  }
.Ltmp3:
0x45: {  	_ = 	snop;
	(pc) =	sbr.rel @p0 .LBB2_8-.Ltmp3, $4  }
0x46: {  	_ = 	snop  }
0x47: {  	s16 =	sshra.s32 s15, $0x2;
	s15 =	sadd.s32 $0x80, s15  }
0x48: {  	s14 =	sadd.s32 $0x80, s14;
	s16 =	sadd.s32 s16, s10  }
0x49: {  	[spmem:s16] =	stream.linear.scatter [tilespmem:s14], [sflag:$0xC], $0x20, $0x38;
	[tilespmem:$0x11020] =	vst v63  }
0x4a: {  	_ =	swait.ge [sflag:s19], $0x1000  }
0x4b: {  	[sflag:s19] =	ssyncset.done $0x0  }
0x4c: {  	s14 =	simm.s32 $0x8020;
	s15 =	sadd.s32 $0x0, s11;
	[sflag:s19] =	ssyncadd.s32 $0xFFFFF000  }
0x4d: {  	[spmem:s15] =	stream.linear.scatter [tilespmem:s14], [sflag:$0xC], $0x20, $0x38;
	[tilespmem:$0x11020] =	vst v63  }
0x4e: {  	s15 =	simm.s32 $0x80  }
.LBB2_10:
0x4f: {  	p0 =	sne.s32 s15, $0x3F80  }
.Ltmp4:
0x50: {  	_ = 	snop;
	(pc) =	sbr.rel @p0 .LBB2_10-.Ltmp4, $4  }
0x51: {  	_ = 	snop  }
0x52: {  	s16 =	sshra.s32 s15, $0x2;
	s15 =	sadd.s32 $0x80, s15  }
0x53: {  	s14 =	sadd.s32 $0x80, s14;
	s16 =	sadd.s32 s16, s11  }
0x54: {  	[spmem:s16] =	stream.linear.scatter [tilespmem:s14], [sflag:$0xC], $0x20, $0x38;
	[tilespmem:$0x11020] =	vst v63  }
0x55: {  	_ =	swait.ge [sflag:s19], $0x1000  }
0x56: {  	[sflag:s19] =	ssyncset.done $0x0  }
0x57: {  	s14 =	simm.s32 $0x8020;
	s15 =	sadd.s32 $0x0, s12;
	[sflag:s19] =	ssyncadd.s32 $0xFFFFF000  }
0x58: {  	[spmem:s15] =	stream.linear.scatter [tilespmem:s14], [sflag:$0xC], $0x20, $0x38;
	[tilespmem:$0x11020] =	vst v63  }
0x59: {  	s15 =	simm.s32 $0x80  }
.LBB2_12:
0x5a: {  	p0 =	sne.s32 s15, $0x3F80  }
.Ltmp5:
0x5b: {  	_ = 	snop;
	(pc) =	sbr.rel @p0 .LBB2_12-.Ltmp5, $4  }
0x5c: {  	_ = 	snop  }
0x5d: {  	s16 =	sshra.s32 s15, $0x2;
	s15 =	sadd.s32 $0x80, s15  }
0x5e: {  	s14 =	sadd.s32 $0x80, s14;
	s16 =	sadd.s32 s16, s12  }
0x5f: {  	[spmem:s16] =	stream.linear.scatter [tilespmem:s14], [sflag:$0xC], $0x20, $0x38;
	[tilespmem:$0x11020] =	vst v63  }
0x60: {  	_ =	swait.ge [sflag:s19], $0x1000  }
0x61: {  	[sflag:s19] =	ssyncset.done $0x0  }
0x62: {  	[sflag:s19] =	ssyncadd.s32 $0xFFFFF000  }
0x63: {  	_ =	swait.ge [sflag:s20], $0x2710  }
0x64: {  	[sflag:s20] =	ssyncset.done $0x0  }
0x65: {  	[sflag:s20] =	ssyncadd.s32 $0xFFFFD8F0  }
0x66: {  	_ =	swait.ge [sflag:s20], $0x2710  }
0x67: {  	[sflag:s20] =	ssyncset.done $0x0  }
0x68: {  	[sflag:s20] =	ssyncadd.s32 $0xFFFFD8F0  }
0x69: {  	s14 =	simm.s32 $0x0;
	[bflag:$0x0] =	sbarrier.arrive $0xFFFF  }
0x6a: {  	[tilespmem:s22], [sflag:$0x2] =	stream.indirect.gather [hbm4b:s4+s21], $0x20, s14, s21, $0xb8;
	[tilespmem:$0x11020] =	vst v63  }
0x6b: {  	_ = 	snop  }
0x6c: {  	[tilespmem:s23], [sflag:$0x3] =	stream.indirect.gather [hbm4b:s4+s21], $0x20, s21, s21, $0xb8;
	[tilespmem:$0x11020] =	vst v63  }
0x6d: {  	s16 =	simm.s32 $0xA0  }
0x6e: {  	[tilespmem:s25], [sflag:$0x4] =	stream.indirect.gather [hbm4b:s4+s21], $0x20, s16, s21, $0xb8;
	[tilespmem:$0x11020] =	vst v63  }
0x6f: {  	s15 =	simm.s32 $0xF0  }
0x70: {  	[tilespmem:s28], [sflag:$0x5] =	stream.indirect.gather [hbm4b:s4+s21], $0x20, s15, s21, $0xb8;
	[tilespmem:$0x11020] =	vst v63  }
0x71: {  	s16 =	simm.s32 $0x140  }
0x72: {  	[tilespmem:s30], [sflag:$0x6] =	stream.indirect.gather [hbm4b:s4+s21], $0x20, s16, s21, $0xb8;
	[tilespmem:$0x11020] =	vst v63  }
0x73: {  	_ =	swait.ge [sflag:s31], $0xA00  }
0x74: {  	[sflag:s31] =	ssyncset.done $0x0  }
0x75: {  	s15 =	simm.s32 $0x2710;
	[sflag:s31] =	ssyncadd.s32 $0xFFFFF600  }
0x76: {  	[spmem:s2] =	stream.indirect.scatter.add.f32 [tilespmem:s22], [sflag:$0x7], $0x20, s15, s21, $0xb8;
	[tilespmem:$0x11020] =	vst v63  }
0x77: {  	_ =	swait.ge [sflag:s1], $0xA00  }
0x78: {  	[sflag:s1] =	ssyncset.done $0x0  }
0x79: {  	s16 =	simm.s32 $0x2760;
	[sflag:s1] =	ssyncadd.s32 $0xFFFFF600  }
0x7a: {  	[spmem:s2] =	stream.indirect.scatter.add.f32 [tilespmem:s23], [sflag:$0x8], $0x20, s16, s21, $0xb8;
	[tilespmem:$0x11020] =	vst v63  }
0x7b: {  	_ =	swait.ge [sflag:s24], $0xA00  }
0x7c: {  	[sflag:s24] =	ssyncset.done $0x0  }
0x7d: {  	s15 =	simm.s32 $0x27B0;
	[sflag:s24] =	ssyncadd.s32 $0xFFFFF600  }
0x7e: {  	[spmem:s2] =	stream.indirect.scatter.add.f32 [tilespmem:s25], [sflag:$0x9], $0x20, s15, s21, $0xb8;
	[tilespmem:$0x11020] =	vst v63  }
0x7f: {  	_ =	swait.ge [sflag:s29], $0xA00  }
0x80: {  	[sflag:s29] =	ssyncset.done $0x0  }
0x81: {  	s16 =	simm.s32 $0x2800;
	[sflag:s29] =	ssyncadd.s32 $0xFFFFF600  }
0x82: {  	[spmem:s2] =	stream.indirect.scatter.add.f32 [tilespmem:s28], [sflag:$0xA], $0x20, s16, s21, $0xb8;
	[tilespmem:$0x11020] =	vst v63  }
0x83: {  	_ =	swait.ge [sflag:s26], $0xA00  }
0x84: {  	[sflag:s26] =	ssyncset.done $0x0  }
0x85: {  	s15 =	simm.s32 $0x2850;
	[sflag:s26] =	ssyncadd.s32 $0xFFFFF600  }
0x86: {  	[spmem:s2] =	stream.indirect.scatter.add.f32 [tilespmem:s30], [sflag:$0xB], $0x20, s15, s21, $0xb8;
	[tilespmem:$0x11020] =	vst v63  }
0x87: {  	_ =	swait.ge [sflag:s0], $0xA00  }
0x88: {  	[sflag:s0] =	ssyncset.done $0x0  }
0x89: {  	s16 =	simm.s32 $0x190;
	[sflag:s0] =	ssyncadd.s32 $0xFFFFF600  }
0x8a: {  	[tilespmem:s22], [sflag:$0x2] =	stream.indirect.gather [hbm4b:s4+s21], $0x20, s16, s21, $0xb8;
	[tilespmem:$0x11020] =	vst v63  }
0x8b: {  	_ =	swait.ge [sflag:s5], $0xA00  }
0x8c: {  	[sflag:s5] =	ssyncset.done $0x0  }
0x8d: {  	s15 =	simm.s32 $0x1E0;
	[sflag:s5] =	ssyncadd.s32 $0xFFFFF600  }
0x8e: {  	[tilespmem:s23], [sflag:$0x3] =	stream.indirect.gather [hbm4b:s4+s21], $0x20, s15, s21, $0xb8;
	[tilespmem:$0x11020] =	vst v63  }
0x8f: {  	_ =	swait.ge [sflag:s7], $0xA00  }
0x90: {  	[sflag:s7] =	ssyncset.done $0x0  }
0x91: {  	s16 =	simm.s32 $0x230;
	[sflag:s7] =	ssyncadd.s32 $0xFFFFF600  }
0x92: {  	[tilespmem:s25], [sflag:$0x4] =	stream.indirect.gather [hbm4b:s4+s21], $0x20, s16, s21, $0xb8;
	[tilespmem:$0x11020] =	vst v63  }
0x93: {  	_ =	swait.ge [sflag:s8], $0xA00  }
0x94: {  	[sflag:s8] =	ssyncset.done $0x0  }
0x95: {  	s15 =	simm.s32 $0x280;
	[sflag:s8] =	ssyncadd.s32 $0xFFFFF600  }
0x96: {  	[tilespmem:s28], [sflag:$0x5] =	stream.indirect.gather [hbm4b:s4+s21], $0x20, s15, s21, $0xb8;
	[tilespmem:$0x11020] =	vst v63  }
0x97: {  	_ =	swait.ge [sflag:s18], $0xA00  }
0x98: {  	[sflag:s18] =	ssyncset.done $0x0  }
0x99: {  	s16 =	simm.s32 $0x2D0;
	[sflag:s18] =	ssyncadd.s32 $0xFFFFF600  }
0x9a: {  	[tilespmem:s30], [sflag:$0x6] =	stream.indirect.gather [hbm4b:s4+s21], $0x20, s16, s21, $0xb8;
	[tilespmem:$0x11020] =	vst v63  }
0x9b: {  	_ =	swait.ge [sflag:s31], $0xA00  }
0x9c: {  	[sflag:s31] =	ssyncset.done $0x0  }
0x9d: {  	s15 =	simm.s32 $0x28A0;
	[sflag:s31] =	ssyncadd.s32 $0xFFFFF600  }
0x9e: {  	[spmem:s2] =	stream.indirect.scatter.add.f32 [tilespmem:s22], [sflag:$0x7], $0x20, s15, s21, $0xb8;
	[tilespmem:$0x11020] =	vst v63  }
0x9f: {  	_ =	swait.ge [sflag:s1], $0xA00  }
0xa0: {  	[sflag:s1] =	ssyncset.done $0x0  }
0xa1: {  	s16 =	simm.s32 $0x28F0;
	[sflag:s1] =	ssyncadd.s32 $0xFFFFF600  }
0xa2: {  	[spmem:s2] =	stream.indirect.scatter.add.f32 [tilespmem:s23], [sflag:$0x8], $0x20, s16, s21, $0xb8;
	[tilespmem:$0x11020] =	vst v63  }
0xa3: {  	_ =	swait.ge [sflag:s24], $0xA00  }
0xa4: {  	[sflag:s24] =	ssyncset.done $0x0  }
0xa5: {  	s15 =	simm.s32 $0x2940;
	[sflag:s24] =	ssyncadd.s32 $0xFFFFF600  }
0xa6: {  	[spmem:s2] =	stream.indirect.scatter.add.f32 [tilespmem:s25], [sflag:$0x9], $0x20, s15, s21, $0xb8;
	[tilespmem:$0x11020] =	vst v63  }
0xa7: {  	_ =	swait.ge [sflag:s29], $0xA00  }
0xa8: {  	[sflag:s29] =	ssyncset.done $0x0  }
0xa9: {  	s16 =	simm.s32 $0x2990;
	[sflag:s29] =	ssyncadd.s32 $0xFFFFF600  }
0xaa: {  	[spmem:s2] =	stream.indirect.scatter.add.f32 [tilespmem:s28], [sflag:$0xA], $0x20, s16, s21, $0xb8;
	[tilespmem:$0x11020] =	vst v63  }
0xab: {  	_ =	swait.ge [sflag:s26], $0xA00  }
0xac: {  	[sflag:s26] =	ssyncset.done $0x0  }
0xad: {  	s14 =	simm.s32 $0x640;
	s15 =	simm.s32 $0x29E0;
	[sflag:s26] =	ssyncadd.s32 $0xFFFFF600  }
.LBB2_14:
0xae: {  	[spmem:s2] =	stream.indirect.scatter.add.f32 [tilespmem:s30], [sflag:$0xB], $0x20, s15, s21, $0xb8;
	[tilespmem:$0x11020] =	vst v63  }
0xaf: {  	s15 =	smov.u32 s14  }
0xb0: {  	p0 =	sne.s32 s14, $0x8FC0;
	s14 =	sadd.s32 $0x640, s14;
	_ =	swait.ge [sflag:s0], $0xA00  }
0xb1: {  	s15 =	sshra.s32 s15, $0x2;
	[sflag:s0] =	ssyncset.done $0x0  }
0xb2: {  	s16 =	sadd.s32 $0x190, s15;
	[sflag:s0] =	ssyncadd.s32 $0xFFFFF600  }
0xb3: {  	[tilespmem:s22], [sflag:$0x2] =	stream.indirect.gather [hbm4b:s4+s21], $0x20, s16, s21, $0xb8;
	[tilespmem:$0x11020] =	vst v63  }
0xb4: {  	_ =	swait.ge [sflag:s5], $0xA00  }
0xb5: {  	[sflag:s5] =	ssyncset.done $0x0  }
0xb6: {  	s16 =	sadd.s32 $0x1E0, s15;
	[sflag:s5] =	ssyncadd.s32 $0xFFFFF600  }
0xb7: {  	[tilespmem:s23], [sflag:$0x3] =	stream.indirect.gather [hbm4b:s4+s21], $0x20, s16, s21, $0xb8;
	[tilespmem:$0x11020] =	vst v63  }
0xb8: {  	_ =	swait.ge [sflag:s7], $0xA00  }
0xb9: {  	[sflag:s7] =	ssyncset.done $0x0  }
0xba: {  	s16 =	sadd.s32 $0x230, s15;
	[sflag:s7] =	ssyncadd.s32 $0xFFFFF600  }
0xbb: {  	[tilespmem:s25], [sflag:$0x4] =	stream.indirect.gather [hbm4b:s4+s21], $0x20, s16, s21, $0xb8;
	[tilespmem:$0x11020] =	vst v63  }
0xbc: {  	_ =	swait.ge [sflag:s8], $0xA00  }
0xbd: {  	[sflag:s8] =	ssyncset.done $0x0  }
0xbe: {  	s16 =	sadd.s32 $0x280, s15;
	[sflag:s8] =	ssyncadd.s32 $0xFFFFF600  }
0xbf: {  	[tilespmem:s28], [sflag:$0x5] =	stream.indirect.gather [hbm4b:s4+s21], $0x20, s16, s21, $0xb8;
	[tilespmem:$0x11020] =	vst v63  }
0xc0: {  	_ =	swait.ge [sflag:s18], $0xA00  }
0xc1: {  	[sflag:s18] =	ssyncset.done $0x0  }
0xc2: {  	s16 =	sadd.s32 $0x2D0, s15;
	[sflag:s18] =	ssyncadd.s32 $0xFFFFF600  }
0xc3: {  	[tilespmem:s30], [sflag:$0x6] =	stream.indirect.gather [hbm4b:s4+s21], $0x20, s16, s21, $0xb8;
	[tilespmem:$0x11020] =	vst v63  }
0xc4: {  	_ =	swait.ge [sflag:s31], $0xA00  }
0xc5: {  	[sflag:s31] =	ssyncset.done $0x0  }
0xc6: {  	s16 =	sadd.s32 $0x28A0, s15;
	[sflag:s31] =	ssyncadd.s32 $0xFFFFF600  }
0xc7: {  	[spmem:s2] =	stream.indirect.scatter.add.f32 [tilespmem:s22], [sflag:$0x7], $0x20, s16, s21, $0xb8;
	[tilespmem:$0x11020] =	vst v63  }
0xc8: {  	_ =	swait.ge [sflag:s1], $0xA00  }
0xc9: {  	[sflag:s1] =	ssyncset.done $0x0  }
0xca: {  	s16 =	sadd.s32 $0x28F0, s15;
	[sflag:s1] =	ssyncadd.s32 $0xFFFFF600  }
0xcb: {  	[spmem:s2] =	stream.indirect.scatter.add.f32 [tilespmem:s23], [sflag:$0x8], $0x20, s16, s21, $0xb8;
	[tilespmem:$0x11020] =	vst v63  }
0xcc: {  	_ =	swait.ge [sflag:s24], $0xA00  }
0xcd: {  	[sflag:s24] =	ssyncset.done $0x0  }
0xce: {  	s16 =	sadd.s32 $0x2940, s15;
	[sflag:s24] =	ssyncadd.s32 $0xFFFFF600  }
0xcf: {  	[spmem:s2] =	stream.indirect.scatter.add.f32 [tilespmem:s25], [sflag:$0x9], $0x20, s16, s21, $0xb8;
	[tilespmem:$0x11020] =	vst v63  }
0xd0: {  	_ =	swait.ge [sflag:s29], $0xA00  }
0xd1: {  	[sflag:s29] =	ssyncset.done $0x0  }
.Ltmp6:
0xd2: {  	s16 =	sadd.s32 $0x2990, s15;
	[sflag:s29] =	ssyncadd.s32 $0xFFFFF600;
	(pc) =	sbr.rel @p0 .LBB2_14-.Ltmp6, $4  }
0xd3: {  	[spmem:s2] =	stream.indirect.scatter.add.f32 [tilespmem:s28], [sflag:$0xA], $0x20, s16, s21, $0xb8;
	[tilespmem:$0x11020] =	vst v63  }
0xd4: {  	_ =	swait.ge [sflag:s26], $0xA00  }
0xd5: {  	[sflag:s26] =	ssyncset.done $0x0  }
0xd6: {  	s15 =	sadd.s32 $0x29E0, s15;
	[sflag:s26] =	ssyncadd.s32 $0xFFFFF600  }
0xd7: {  	[spmem:s2] =	stream.indirect.scatter.add.f32 [tilespmem:s30], [sflag:$0xB], $0x20, s15, s21, $0xb8;
	[tilespmem:$0x11020] =	vst v63  }
0xd8: {  	_ =	swait.ge [sflag:s0], $0xA00  }
0xd9: {  	[sflag:s0] =	ssyncset.done $0x0  }
0xda: {  	[sflag:s0] =	ssyncadd.s32 $0xFFFFF600  }
0xdb: {  	_ =	swait.ge [sflag:s5], $0xA00  }
0xdc: {  	[sflag:s5] =	ssyncset.done $0x0  }
0xdd: {  	[sflag:s5] =	ssyncadd.s32 $0xFFFFF600  }
0xde: {  	_ =	swait.ge [sflag:s7], $0xA00  }
0xdf: {  	[sflag:s7] =	ssyncset.done $0x0  }
0xe0: {  	[sflag:s7] =	ssyncadd.s32 $0xFFFFF600  }
0xe1: {  	_ =	swait.ge [sflag:s8], $0xA00  }
0xe2: {  	[sflag:s8] =	ssyncset.done $0x0  }
0xe3: {  	[sflag:s8] =	ssyncadd.s32 $0xFFFFF600  }
0xe4: {  	_ =	swait.ge [sflag:s18], $0xA00  }
0xe5: {  	[sflag:s18] =	ssyncset.done $0x0  }
0xe6: {  	s14 =	simm.s32 $0x8020;
	[sflag:s18] =	ssyncadd.s32 $0xFFFFF600  }
0xe7: {  	s16 =	sadd.s32 $0x0, s6;
	s15 =	simm.s32 $0x80;
	[bflag:$0x0] =	sbarrier.arrive $0xFFFF  }
0xe8: {  	[tilespmem:s14], [sflag:$0xC] =	stream.linear.gather [spmem:s16], $0x20, $0x38;
	[tilespmem:$0x11020] =	vst v63  }
.LBB2_16:
0xe9: {  	p0 =	sne.s32 s15, $0x3F80  }
.Ltmp7:
0xea: {  	_ = 	snop;
	(pc) =	sbr.rel @p0 .LBB2_16-.Ltmp7, $4  }
0xeb: {  	_ = 	snop  }
0xec: {  	s16 =	sshra.s32 s15, $0x2;
	s15 =	sadd.s32 $0x80, s15  }
0xed: {  	s14 =	sadd.s32 $0x80, s14;
	s16 =	sadd.s32 s16, s6  }
0xee: {  	[tilespmem:s14], [sflag:$0xC] =	stream.linear.gather [spmem:s16], $0x20, $0x38;
	[tilespmem:$0x11020] =	vst v63  }
0xef: {  	_ =	swait.ge [sflag:s19], $0x1000  }
0xf0: {  	s15 =	simm.s32 $0x0;
	[sflag:s19] =	ssyncset.done $0x0  }
0xf1: {  	s14 =	simm.s32 $0x8020;
	s16 =	rddreg [dreg:$0x6];
	[sflag:s19] =	ssyncadd.s32 $0xFFFFF000  }
0xf2: {  	[hbm4b:s16+s15] =	stream.linear.scatter [tilespmem:s14], [sflag:$0xC], $0x4000, $0x38;
	[tilespmem:$0x11020] =	vst v63  }
0xf3: {  	_ =	swait.ge [sflag:s19], $0x4000  }
0xf4: {  	[sflag:s19] =	ssyncset.done $0x0  }
0xf5: {  	s16 =	sadd.s32 $0x0, s9;
	s15 =	simm.s32 $0x80;
	[sflag:s19] =	ssyncadd.s32 $0xFFFFC000  }
0xf6: {  	[tilespmem:s14], [sflag:$0xC] =	stream.linear.gather [spmem:s16], $0x20, $0x38;
	[tilespmem:$0x11020] =	vst v63  }
.LBB2_18:
0xf7: {  	p0 =	sne.s32 s15, $0x3F80  }
.Ltmp8:
0xf8: {  	_ = 	snop;
	(pc) =	sbr.rel @p0 .LBB2_18-.Ltmp8, $4  }
0xf9: {  	_ = 	snop  }
0xfa: {  	s16 =	sshra.s32 s15, $0x2;
	s15 =	sadd.s32 $0x80, s15  }
0xfb: {  	s14 =	sadd.s32 $0x80, s14;
	s16 =	sadd.s32 s16, s9  }
0xfc: {  	[tilespmem:s14], [sflag:$0xC] =	stream.linear.gather [spmem:s16], $0x20, $0x38;
	[tilespmem:$0x11020] =	vst v63  }
0xfd: {  	_ =	swait.ge [sflag:s19], $0x1000  }
0xfe: {  	s15 =	simm.s32 $0x0;
	[sflag:s19] =	ssyncset.done $0x0  }
0xff: {  	s14 =	simm.s32 $0x8020;
	s16 =	rddreg [dreg:$0x7];
	[sflag:s19] =	ssyncadd.s32 $0xFFFFF000  }
0x100: {  	[hbm4b:s16+s15] =	stream.linear.scatter [tilespmem:s14], [sflag:$0xC], $0x4000, $0x38;
	[tilespmem:$0x11020] =	vst v63  }
0x101: {  	_ =	swait.ge [sflag:s19], $0x4000  }
0x102: {  	[sflag:s19] =	ssyncset.done $0x0  }
0x103: {  	s16 =	sadd.s32 $0x0, s10;
	s15 =	simm.s32 $0x80;
	[sflag:s19] =	ssyncadd.s32 $0xFFFFC000  }
0x104: {  	[tilespmem:s14], [sflag:$0xC] =	stream.linear.gather [spmem:s16], $0x20, $0x38;
	[tilespmem:$0x11020] =	vst v63  }
.LBB2_20:
0x105: {  	p0 =	sne.s32 s15, $0x3F80  }
.Ltmp9:
0x106: {  	_ = 	snop;
	(pc) =	sbr.rel @p0 .LBB2_20-.Ltmp9, $4  }
0x107: {  	_ = 	snop  }
0x108: {  	s16 =	sshra.s32 s15, $0x2;
	s15 =	sadd.s32 $0x80, s15  }
0x109: {  	s14 =	sadd.s32 $0x80, s14;
	s16 =	sadd.s32 s16, s10  }
0x10a: {  	[tilespmem:s14], [sflag:$0xC] =	stream.linear.gather [spmem:s16], $0x20, $0x38;
	[tilespmem:$0x11020] =	vst v63  }
0x10b: {  	_ =	swait.ge [sflag:s19], $0x1000  }
0x10c: {  	s15 =	simm.s32 $0x0;
	[sflag:s19] =	ssyncset.done $0x0  }
0x10d: {  	s14 =	simm.s32 $0x8020;
	s16 =	rddreg [dreg:$0x8];
	[sflag:s19] =	ssyncadd.s32 $0xFFFFF000  }
0x10e: {  	[hbm4b:s16+s15] =	stream.linear.scatter [tilespmem:s14], [sflag:$0xC], $0x4000, $0x38;
	[tilespmem:$0x11020] =	vst v63  }
0x10f: {  	_ =	swait.ge [sflag:s19], $0x4000  }
0x110: {  	[sflag:s19] =	ssyncset.done $0x0  }
0x111: {  	s16 =	sadd.s32 $0x0, s11;
	s15 =	simm.s32 $0x80;
	[sflag:s19] =	ssyncadd.s32 $0xFFFFC000  }
0x112: {  	[tilespmem:s14], [sflag:$0xC] =	stream.linear.gather [spmem:s16], $0x20, $0x38;
	[tilespmem:$0x11020] =	vst v63  }
.LBB2_22:
0x113: {  	p0 =	sne.s32 s15, $0x3F80  }
.Ltmp10:
0x114: {  	_ = 	snop;
	(pc) =	sbr.rel @p0 .LBB2_22-.Ltmp10, $4  }
0x115: {  	_ = 	snop  }
0x116: {  	s16 =	sshra.s32 s15, $0x2;
	s15 =	sadd.s32 $0x80, s15  }
0x117: {  	s14 =	sadd.s32 $0x80, s14;
	s16 =	sadd.s32 s16, s11  }
0x118: {  	[tilespmem:s14], [sflag:$0xC] =	stream.linear.gather [spmem:s16], $0x20, $0x38;
	[tilespmem:$0x11020] =	vst v63  }
0x119: {  	_ =	swait.ge [sflag:s19], $0x1000  }
0x11a: {  	s15 =	simm.s32 $0x0;
	[sflag:s19] =	ssyncset.done $0x0  }
0x11b: {  	s14 =	simm.s32 $0x8020;
	s16 =	rddreg [dreg:$0x9];
	[sflag:s19] =	ssyncadd.s32 $0xFFFFF000  }
0x11c: {  	[hbm4b:s16+s15] =	stream.linear.scatter [tilespmem:s14], [sflag:$0xC], $0x4000, $0x38;
	[tilespmem:$0x11020] =	vst v63  }
0x11d: {  	_ =	swait.ge [sflag:s19], $0x4000  }
0x11e: {  	[sflag:s19] =	ssyncset.done $0x0  }
0x11f: {  	s16 =	sadd.s32 $0x0, s12;
	s15 =	simm.s32 $0x80;
	[sflag:s19] =	ssyncadd.s32 $0xFFFFC000  }
0x120: {  	[tilespmem:s14], [sflag:$0xC] =	stream.linear.gather [spmem:s16], $0x20, $0x38;
	[tilespmem:$0x11020] =	vst v63  }
.LBB2_24:
0x121: {  	p0 =	sne.s32 s15, $0x3F80  }
.Ltmp11:
0x122: {  	_ = 	snop;
	(pc) =	sbr.rel @p0 .LBB2_24-.Ltmp11, $4  }
0x123: {  	_ = 	snop  }
0x124: {  	s16 =	sshra.s32 s15, $0x2;
	s15 =	sadd.s32 $0x80, s15  }
0x125: {  	s14 =	sadd.s32 $0x80, s14;
	s16 =	sadd.s32 s16, s12  }
0x126: {  	[tilespmem:s14], [sflag:$0xC] =	stream.linear.gather [spmem:s16], $0x20, $0x38;
	[tilespmem:$0x11020] =	vst v63  }
0x127: {  	_ =	swait.ge [sflag:s19], $0x1000  }
0x128: {  	[sflag:s19] =	ssyncset.done $0x0  }
0x129: {  	s14 =	simm.s32 $0x8020;
	[sflag:s19] =	ssyncadd.s32 $0xFFFFF000  }
0x12a: {  	[hbm4b:s17+s3] =	stream.linear.scatter [tilespmem:s14], [sflag:$0xC], $0x4000, $0x38;
	[tilespmem:$0x11020] =	vst v63  }
0x12b: {  	_ =	swait.ge [sflag:s19], $0x4000  }
0x12c: {  	s13 =	sadd.s32 $0x1, s13;
	s16 =	rddreg [dreg:$0x5]  }
0x12d: {  	p0 =	sne.s32 s13, s16  }
.Ltmp12:
0x12e: {  	_ = 	snop;
	(pc) =	sbr.rel @p0 .LBB2_1-.Ltmp12, $3  }
0x12f: {  	_ =	sdelay $0x1  }
0x130: {  	[sflag:s19] =	ssyncset.done $0x0  }
0x131: {  	[sflag:s19] =	ssyncadd.s32 $0xFFFFC000  }
0x132: {  	_ =	sfence.sel $0x180000  }
0x133: {  	[bflag:$0x0] =	sbarrier.arrive $0xFFFF  }
0x134: {  	_ =	strace $0x9000004A  }
0x135: {  	s0 =	stileid.u32;
	[bflag:$0x2] =	sbarrier.arrive $0xFFFF  }
0x136: {  	p0 =	sne.s32 s0, $0x0;
	s0 =	rddreg [dreg:$0x2]  }
0x137: {  	s0 =	sadd.s32 @!p0 $0x100000, s0  }
0x138: {  	[sflag:s0] =	ssyncadd.tile.s32 @!p0 $0x1;
	_ =	shalt  }
.Lfunc_end2:
_tile_overlayer_lowered:
.L_overlay_start_2:
0x139: {  	(tag) =	ssettag $0x2  }
0x13a: {  	s0 =	rddreg [dreg:$0x0];
	s2 =	stileid.u32  }
0x13b: {  	s1 =	rddreg [dreg:$0x1];
	p0 =	sne.s32 s2, $0x0  }
0x13c: {  	s3 =	rddreg [dreg:$0x2];
	[bflag:$0x3] =	sbarrier.arrive $0xFFFF;
	s2 =	simm.s32 @!p0 $0x1C0C  }
0x13d: {  	[timem:s3], [sflag:s2] =	dma.local @!p0 [hbm:s0], s1  }
0x13e: {  	s0 =	simm.s32 @!p0 $0xC  }
0x13f: {  	_ =	swait.ge @!p0 [sflag:s0], s1  }
0x140: {  	s1 =	ssub.s32 @!p0 $0x0, s1;
	[sflag:s0] =	ssyncset.done @!p0 $0x0  }
0x141: {  	[sflag:s0] =	ssyncadd.s32 @!p0 s1  }
0x142: {  	[bflag:$0x3] =	sbarrier.arrive $0xFFFF  }
0x143: {  	_ =	shalt  }

// kernel: kernel.7.cloned.1.call-start
scs
__scs_entry_jumppad:
0x0: {  	(pc) =	sbr.rel $0x88, $3  }
0x1: {  	(tag) =	ssettag $0x0;
	lr =	simm.s32 $0x1  }
0x2: {  	[smem:$0x3F91] =	sst lr;
	_ =	strace $0xD0000000  }
0x3: {  	_ = 	snop  }
0x4: {  	_ = 	snop  }
0x5: {  	_ = 	snop  }
0x6: {  	_ = 	snop  }
0x7: {  	_ = 	snop  }
__scs_overlays_trampoline_lowered:
0x8: {  	[smem:$0x3FA0] =	sst s0  }
0x9: {  	[smem:$0x3FA1] =	sst s1  }
0xa: {  	[smem:$0x3FA2] =	sst s2  }
0xb: {  	[smem:$0x3FA3] =	sst s3  }
0xc: {  	[smem:$0x3FA4] =	sst s4  }
0xd: {  	[smem:$0x3FA5] =	sst s5  }
0xe: {  	[smem:$0x3FA6] =	sst s6  }
0xf: {  	[smem:$0x3FA7] =	sst s7  }
0x10: {  	[smem:$0x3FA8] =	sst s8  }
0x11: {  	[smem:$0x3FA9] =	sst s9;
	s0 =	simm.s32 @!p0 $0x0  }
0x12: {  	s1 =	sld [smem:$0x3F8F];
	s0 =	simm.s32 @p0 $0x1  }
0x13: {  	[smem:$0x3FAA] =	sst s0;
	s0 =	simm.s32 @!p1 $0x0  }
0x14: {  	s2 =	sld [smem:$0x3F8E];
	s0 =	simm.s32 @p1 $0x1  }
0x15: {  	[smem:$0x3FAB] =	sst s0;
	s0 =	simm.s32 @!p2 $0x0  }
0x16: {  	s3 =	sld [smem:$0x3FDB];
	s0 =	simm.s32 @p2 $0x1  }
0x17: {  	s4 =	simm.s32 $0x1BF5;
	[smem:$0x3FAD] =	sst s0  }
0x18: {  	s0 =	sld [smem:$0x3F90];
	_ =	swait.ge [sflag:s4], $0x0  }
0x19: {  	s7 =	sld [smem:$0x3F91]  }
0x1a: {  	s8 =	sadd.s32 $0xFFFFE003, lr  }
0x1b: {  	s9 =	sadd.s32 $0xFFFFFEF7, lr;
	s5 =	simm.s32 $0xFFFFFFFF;
	p2 =	slt.u32 s8, $0xFFFFF086  }
0x1c: {  	p1 =	slt.u32 s9, $0xF7A;
	s5 =	simm.s32 @!p2 $0x0  }
0x1d: {  	s5 =	simm.s32 @p1 $0x1;
	p0 =	seq.s32 s7, s2  }
0x1e: {  	s7 =	smul.u32 @!p0 $0xF7A, s2;
	p2 =	seq.s32 @!p0 s5, $0x0  }
0x1f: {  	s9 =	smul.u32 $0xF7A, s1;
	s8 =	simm.s32 @!p0 $0x1BF5;
	p2 =	por !p2, p0  }
0x20: {  	[sflag:s8] =	ssyncset.s32 @!p0 $0xFFFFF086;
	s6 =	sadd.s32 @!p0 s3, s7;
	s7 =	simm.s32 @!p0 $0x108  }
0x21: {  	s3 =	sadd.s32 s3, s9;
	s6 =	sadd.s32 @!p0 $0x88, s6;
	s7 =	simm.s32 @p2 $0x1082  }
0x22: {  	[simem:s7], [sflag:s8] =	dma.local @!p0 [hbm:s6], $0xF7A  }
0x23: {  	s9 =	sor.u32 $0xD0000000, s2;
	s6 =	simm.s32 $0x108;
	_ =	swait.ge @!p0 [sflag:s8], $0x0  }
0x24: {  	s3 =	sadd.s32 $0x88, s3;
	s6 =	simm.s32 @!p1 $0x1082;
	[sflag:s4] =	ssyncset.s32 $0xFFFFF086  }
0x25: {  	[simem:s6], [sflag:s4] =	dma.local [hbm:s3], $0xF7A  }
0x26: {  	[smem:$0x3F91] =	sst s1;
	(tag) =	ssettag s2;
	_ =	strace s9  }
0x27: {  	s1 =	sld [smem:$0x3FA1]  }
0x28: {  	s2 =	sld [smem:$0x3FA2]  }
0x29: {  	s4 =	sld [smem:$0x3FA4]  }
0x2a: {  	p0 =	seq.s32 s5, $0x0;
	s5 =	sld [smem:$0x3FA5]  }
0x2b: {  	s6 =	sld [smem:$0x3FA6]  }
0x2c: {  	s7 =	sld [smem:$0x3FA7]  }
0x2d: {  	s3 =	simm.s32 $0x108;
	s8 =	sld [smem:$0x3FA8]  }
0x2e: {  	s3 =	simm.s32 @!p0 $0x1082;
	s9 =	sld [smem:$0x3FA9]  }
0x2f: {  	lr =	sadd.s32 s0, s3;
	s0 =	sld [smem:$0x3FA0]  }
0x30: {  	s3 =	sld [smem:$0x3FA3]  }
0x31: {  	[smem:$0x3FAC] =	sst s10  }
0x32: {  	s10 =	sld [smem:$0x3FAA];
	_ =	sdelay $0x3  }
0x33: {  	p0 =	seq.s32 s10, $0x1;
	s10 =	sld [smem:$0x3FAC];
	_ =	sdelay $0x3  }
0x34: {  	[smem:$0x3FAC] =	sst s10  }
0x35: {  	s10 =	sld [smem:$0x3FAB];
	_ =	sdelay $0x3  }
0x36: {  	p1 =	seq.s32 s10, $0x1;
	s10 =	sld [smem:$0x3FAC];
	_ =	sdelay $0x3  }
0x37: {  	[smem:$0x3FAC] =	sst s10  }
0x38: {  	s10 =	sld [smem:$0x3FAD]  }
0x39: {  	_ = 	snop;
	(pc) =	sbr.ind lr, $3  }
0x3a: {  	_ = 	snop  }
0x3b: {  	_ = 	snop  }
0x3c: {  	p2 =	seq.s32 s10, $0x1;
	s10 =	sld [smem:$0x3FAC]  }
0x3d: {  	_ =	shalt  }
0x3e: {  	_ =	shalt  }
0x3f: {  	_ =	shalt  }
0x40: {  	_ =	shalt  }
0x41: {  	_ =	shalt  }
0x42: {  	_ =	shalt  }
0x43: {  	_ =	shalt  }
0x44: {  	_ =	shalt  }
0x45: {  	_ =	shalt  }
0x46: {  	_ =	shalt  }
0x47: {  	_ =	shalt  }
0x48: {  	_ =	shalt  }
0x49: {  	_ =	shalt  }
0x4a: {  	_ =	shalt  }
0x4b: {  	_ =	shalt  }
0x4c: {  	_ =	shalt  }
0x4d: {  	_ =	shalt  }
0x4e: {  	_ =	shalt  }
0x4f: {  	_ =	shalt  }
0x50: {  	_ =	shalt  }
0x51: {  	_ =	shalt  }
0x52: {  	_ =	shalt  }
0x53: {  	_ =	shalt  }
0x54: {  	_ =	shalt  }
0x55: {  	_ =	shalt  }
0x56: {  	_ =	shalt  }
0x57: {  	_ =	shalt  }
0x58: {  	_ =	shalt  }
0x59: {  	_ =	shalt  }
0x5a: {  	_ =	shalt  }
0x5b: {  	_ =	shalt  }
0x5c: {  	_ =	shalt  }
0x5d: {  	_ =	shalt  }
0x5e: {  	_ =	shalt  }
0x5f: {  	_ =	shalt  }
0x60: {  	_ =	shalt  }
0x61: {  	_ =	shalt  }
0x62: {  	_ =	shalt  }
0x63: {  	_ =	shalt  }
0x64: {  	_ =	shalt  }
0x65: {  	_ =	shalt  }
0x66: {  	_ =	shalt  }
0x67: {  	_ =	shalt  }
0x68: {  	_ =	shalt  }
0x69: {  	_ =	shalt  }
0x6a: {  	_ =	shalt  }
0x6b: {  	_ =	shalt  }
0x6c: {  	_ =	shalt  }
0x6d: {  	_ =	shalt  }
0x6e: {  	_ =	shalt  }
0x6f: {  	_ =	shalt  }
0x70: {  	_ =	shalt  }
0x71: {  	_ =	shalt  }
0x72: {  	_ =	shalt  }
0x73: {  	_ =	shalt  }
0x74: {  	_ =	shalt  }
0x75: {  	_ =	shalt  }
0x76: {  	_ =	shalt  }
0x77: {  	_ =	shalt  }
0x78: {  	_ =	shalt  }
0x79: {  	_ =	shalt  }
0x7a: {  	_ =	shalt  }
0x7b: {  	_ =	shalt  }
0x7c: {  	_ =	shalt  }
0x7d: {  	_ =	shalt  }
0x7e: {  	_ =	shalt  }
0x7f: {  	_ =	shalt  }
0x80: {  	_ =	shalt  }
0x81: {  	_ =	shalt  }
0x82: {  	_ =	shalt  }
0x83: {  	_ =	shalt  }
0x84: {  	_ =	shalt  }
0x85: {  	_ =	shalt  }
0x86: {  	_ =	shalt  }
0x87: {  	_ =	shalt  }
.Lfunc_end0:
.L_simem_size_0:
called_computation_lowered:
.L_overlay_start_0:
0x88: {  	s2 =	sld [smem:$0x3FD9]  }
0x89: {  	s3 =	sld [smem:$0x3FFE];
	_ =	sdelay $0x1  }
0x8a: {  	s1 =	srdreg.scid  }
0x8b: {  	s0 =	sand.u32 $0x1, s1  }
0x8c: {  	s16 =	sshll.u32 s0, $0xA;
	s2 =	sadd.s32 s3, s2  }
0x8d: {  	s2 =	sadd.s32 s2, s16  }
0x8e: {  	[smem:$0x3FB8] =	sst s2  }
0x8f: {  	_ = 	snop  }
0x90: {  	(tm) =	ssettm $0x1  }
0x91: {  	s17 =	sld [smem:$0x3FFB];
	_ =	sdelay $0x3  }
0x92: {  	_ =	strace s17  }
0x93: {  	s2 =	sld [smem:$0x3FFC];
	_ =	sdelay $0x3  }
0x94: {  	_ =	strace s2  }
0x95: {  	s2 =	sld [smem:$0x3FFD];
	_ =	sdelay $0x3  }
0x96: {  	_ =	strace s2  }
0x97: {  	_ =	strace $0x8FFFFFFF  }
0x98: {  	s18 =	sld [smem:$0x3FDB];
	_ =	sdelay $0x1  }
0x99: {  	s19 =	simm.s32 $_scs_section_size  }
0x9a: {  	s4 =	simm.s32 $_size__tile_overlayer_lowered;
	s5 =	simm.s32 $_tile_overlayer_lowered  }
0x9b: {  	s22 =	simm.s32 $0x1BFF;
	s21 =	sshll.u32 s5, $0x1;
	s2 =	sadd.s32 s19, s18  }
0x9c: {  	s6 =	simm.s32 $0x0;
	s20 =	sshll.u32 s4, $0x1;
	s4 =	sadd.s32 s21, s2  }
0x9d: {  	[timem:s6], [sflag:s22] =	dma.local [hbm:s4], s20  }
0x9e: {  	_ =	swait.ge [sflag:s22], s20  }
0x9f: {  	s3 =	ssub.s32 $0x0, s20;
	[sflag:s22] =	ssyncset.done $0x0  }
0xa0: {  	[sflag:s22] =	ssyncadd.s32 s3;
	_ =	sdelay $0x1  }
0xa1: {  	s23 =	simm.s32 $0x1B8B  }
0xa2: {  	_ =	swait.ge [sflag:s23], $0x1  }
0xa3: {  	[sflag:s23] =	ssyncset.done $0x0  }
0xa4: {  	s25 =	simm.s32 $0x1B8E;
	s24 =	sld [smem:$0x3FFE];
	[sflag:s23] =	ssyncadd.s32 $0xFFFFFFFF  }
0xa5: {  	s26 =	simm.s32 $execute0_lowered;
	[smem:$0x3FD2] =	sst s25  }
0xa6: {  	s4 =	sshll.u32 s26, $0x1;
	_ =	strace $0x80000046;
	[dreg:$0x1] =	wrdreg $0xFFFFFFFF  }
0xa7: {  	s28 =	simm.s32 $_size_execute0_lowered;
	s2 =	sadd.s32 s2, s4;
	[dreg:$0x0] =	wrdreg $0x0  }
0xa8: {  	s4 =	sshll.u32 s28, $0x1;
	[dreg:$0x2] =	wrdreg s2  }
0xa9: {  	[dreg:$0x3] =	wrdreg s4  }
0xaa: {  	[dreg:$0x4] =	wrdreg $0xC0  }
0xab: {  	_ =	task [dreg:s6], $0x5FFFF  }
0xac: {  	[dreg:$0x1] =	wrdreg $0xFFFFFFFF  }
0xad: {  	[dreg:$0x0] =	wrdreg $0x60  }
0xae: {  	[dreg:$0x2] =	wrdreg s24  }
0xaf: {  	[dreg:$0x3] =	wrdreg $0xFEA00  }
0xb0: {  	[dreg:$0x4] =	wrdreg $0x9  }
0xb1: {  	_ =	task.clear_ibuf [dreg:s6], $0x5FFFF;
	_ =	strace $0x90000046  }
0xb2: {  	s29 =	simm.s32 $0x9;
	_ =	strace $0x80000048  }
0xb3: {  	_ =	swait.ge [sflag:s29], $0x1  }
0xb4: {  	[sflag:s29] =	ssyncadd.s32 $0xFFFFFFFF  }
0xb5: {  	_ =	strace $0x90000048  }
0xb6: {  	_ =	sfence  }
0xb7: {  	s30 =	sld [smem:$0x0];
	_ =	sdelay $0x2  }
0xb8: {  	s31 =	sshll.u32 s1, $0xD;
	s1 =	sshrl.u32 s1, $0x2  }
0xb9: {  	s3 =	sand.u32 $0x4000, s31;
	s1 =	sadd.s32 s1, s30  }
0xba: {  	s0 =	sor.u32 s3, s0;
	s1 =	sshll.u32 s1, $0x11  }
0xbb: {  	s0 =	sor.u32 s1, s0  }
0xbc: {  	s0 =	sadd.s32 $0x8F2B, s0  }
0xbd: {  	[sflag:s0] =	ssyncadd.remote.s32 $0x1  }
0xbe: {  	_ =	sfence.sel $0xFFFF  }
0xbf: {  	[dreg:$0x0] =	wrdreg $0xFFFFFFFF;
	(pc) =	sbr.abs _section_cstart, $3  }
0xc0: {  	[dreg:$0x1] =	wrdreg $0xFFFFFFFF  }
0xc1: {  	_ =	task.clear_ibuf [dreg:s6], $0x2FFFF;
	_ =	strace $0x9FFFFFFF  }
0xc2: {  	(tm) =	ssettm $0x7FFFFFFF  }
0xc3: {  	_ =	shalt  }
tec
execute0_lowered:
.L_overlay_start_1:
0x0: {  	(tag) =	ssettag $0x1  }
0x1: {  	s0 =	srdreg.scid  }
0x2: {  	s7 =	stileid.u32;
	s5 =	rddreg [dreg:$0x0]  }
0x3: {  	s2 =	rddreg [dreg:$0x1];
	s3 =	simm.s32 $0x0;
	s19 =	simm.s32 $0xC  }
0x4: {  	s20 =	simm.s32 $0x1;
	s28 =	simm.s32 $0x91A0;
	s30 =	simm.s32 $0xA820  }
0x5: {  	s31 =	simm.s32 $0x2;
	s29 =	simm.s32 $0x5;
	s8 =	simm.s32 $0xA  }
0x6: {  	s18 =	simm.s32 $0xB;
	s13 =	simm.s32 $0x0;
	s0 =	sand.u32 $0x1, s0  }
0x7: {  	s4 =	smul.u32 $0x280, s7;
	[smem:$0x7FF] =	sst s3;
	s1 =	sshll.u32 s0, $0x4  }
0x8: {  	s6 =	smul.u32 $0x2800, s0;
	_ =	strace $0x80000047;
	s0 =	ssub.s32 $0x2, s0  }
0x9: {  	s1 =	sor.u32 s7, s1;
	s7 =	smul.u32 $0x2D000, s7;
	s21 =	sshrl.u32 s0, $0x1  }
0xa: {  	s1 =	smul.u32 $0x2710, s1;
	s6 =	sadd.s32 s4, s6;
	s4 =	sadd.s32 $0x2400, s5  }
0xb: {  	s0 =	ssub.s32 s0, s21;
	s21 =	simm.s32 $0x50;
	s6 =	sshll.u32 s6, $0x4  }
0xc: {  	s7 =	sshrl.u32 s7, $0x2;
	s0 =	smax.u32 s0, $0x1;
	s1 =	sshrl.u32 s1, $0x3  }
0xd: {  	[dreg:$0x5] =	wrdreg s0;
	s0 =	simm.s32 $0x7;
	s1 =	sadd.s32 s1, s5  }
0xe: {  	s5 =	sadd.s32 s6, s5;
	s6 =	sadd.s32 s7, s2;
	s22 =	sadd.s32 $0x18400, s1  }
0xf: {  	s7 =	simm.s32 $0x9;
	s1 =	sadd.s32 $0x22040, s1;
	[dreg:$0x3] =	wrdreg s22  }
0x10: {  	s9 =	sadd.s32 $0x2400, s6;
	s23 =	sadd.s32 $0x2BE00, s5;
	[dreg:$0x4] =	wrdreg s1  }
0x11: {  	s10 =	sadd.s32 $0x4800, s6;
	s24 =	sadd.s32 $0x2C600, s5;
	[dreg:$0x6] =	wrdreg s23  }
0x12: {  	s11 =	sadd.s32 $0x6C00, s6;
	s25 =	sadd.s32 $0x2CE00, s5;
	[dreg:$0x7] =	wrdreg s24  }
0x13: {  	s12 =	sadd.s32 $0x9000, s6;
	s26 =	sadd.s32 $0x2D600, s5;
	[dreg:$0x8] =	wrdreg s25  }
0x14: {  	s17 =	sadd.s32 $0x2DE00, s5;
	s5 =	simm.s32 $0x8;
	[dreg:$0x9] =	wrdreg s26  }
0x15: {  	s22 =	simm.s32 $0x4E20;
	s23 =	simm.s32 $0x64A0;
	s25 =	simm.s32 $0x7B20  }
0x16: {  	v0 =	vimm.f32 $0.0e+00;
	s1 =	simm.s32 $0x3;
	s24 =	simm.s32 $0x4;
	s26 =	simm.s32 $0x6  }
.LBB2_1:
0x17: {  	s14 =	rddreg [dreg:$0x3]  }
0x18: {  	[tilespmem:s3], [sflag:$0x1] =	stream.linear.gather [hbm4b:s14+s3], $0x2710, $0x38;
	[tilespmem:$0x1B2A0] =	vst v63  }
0x19: {  	s16 =	rddreg [dreg:$0x4];
	s15 =	simm.s32 $0x2710  }
0x1a: {  	[tilespmem:s15], [sflag:$0x1] =	stream.linear.gather [hbm4b:s16+s3], $0x2710, $0x38;
	[tilespmem:$0x1B2A0] =	vst v63  }
0x1b: {  	s14 =	simm.s32 $0x0;
	s15 =	simm.s32 $0x200  }
.LBB2_2:
0x1c: {  	p0 =	sne.s32 s15, $0xFE00;
	[tilespmem:s14+$0xBF10] =	vst v0  }
0x1d: {  	[tilespmem:s14+$0xBEA0] =	vst v0  }
0x1e: {  	[tilespmem:s14+$0xBEB0] =	vst v0  }
.Ltmp0:
0x1f: {  	[tilespmem:s14+$0xBEC0] =	vst v0;
	(pc) =	sbr.rel @p0 .LBB2_2-.Ltmp0, $4  }
0x20: {  	[tilespmem:s14+$0xBED0] =	vst v0  }
0x21: {  	[tilespmem:s14+$0xBEE0] =	vst v0  }
0x22: {  	[tilespmem:s14+$0xBEF0] =	vst v0  }
0x23: {  	[tilespmem:s14+$0xBF00] =	vst v0;
	s14 =	sshra.s32 s15, $0x2;
	s15 =	sadd.s32 $0x200, s15  }
0x24: {  	[tilespmem:s14+$0xBF10] =	vst v0  }
0x25: {  	[tilespmem:s14+$0xBEA0] =	vst v0  }
0x26: {  	[tilespmem:s14+$0xBEB0] =	vst v0  }
0x27: {  	[tilespmem:s14+$0xBEC0] =	vst v0  }
0x28: {  	[tilespmem:s14+$0xBED0] =	vst v0  }
0x29: {  	[tilespmem:s14+$0xBEE0] =	vst v0  }
0x2a: {  	[tilespmem:s14+$0xBEF0] =	vst v0  }
0x2b: {  	[tilespmem:s14+$0xBF00] =	vst v0;
	s16 =	simm.s32 $0xBEA0;
	s14 =	simm.s32 $0x200;
	s15 =	smov.u32 s6  }
0x2c: {  	[spmem:s6] =	stream.linear.scatter [tilespmem:s16], [sflag:$0xC], $0x48, $0x38;
	[tilespmem:$0x1B2A0] =	vst v63  }
.LBB2_4:
0x2d: {  	p0 =	sne.s32 s14, $0xFE00  }
.Ltmp1:
0x2e: {  	_ = 	snop;
	(pc) =	sbr.rel @p0 .LBB2_4-.Ltmp1, $4  }
0x2f: {  	_ = 	snop  }
0x30: {  	s16 =	sshra.s32 s14, $0x2;
	s14 =	sadd.s32 $0x200, s14  }
0x31: {  	s15 =	sadd.s32 $0x48, s15;
	s16 =	sadd.s32 $0xBEA0, s16  }
0x32: {  	[spmem:s15] =	stream.linear.scatter [tilespmem:s16], [sflag:$0xC], $0x48, $0x38;
	[tilespmem:$0x1B2A0] =	vst v63  }
0x33: {  	_ =	swait.ge [sflag:s19], $0x2400  }
0x34: {  	[sflag:s19] =	ssyncset.done $0x0  }
0x35: {  	s14 =	simm.s32 $0xBEA0;
	[sflag:s19] =	ssyncadd.s32 $0xFFFFDC00  }
0x36: {  	[spmem:s9] =	stream.linear.scatter [tilespmem:s14], [sflag:$0xC], $0x48, $0x38;
	[tilespmem:$0x1B2A0] =	vst v63  }
0x37: {  	s15 =	smov.u32 s9;
	s14 =	simm.s32 $0x200  }
.LBB2_6:
0x38: {  	p0 =	sne.s32 s14, $0xFE00  }
.Ltmp2:
0x39: {  	_ = 	snop;
	(pc) =	sbr.rel @p0 .LBB2_6-.Ltmp2, $4  }
0x3a: {  	_ = 	snop  }
0x3b: {  	s16 =	sshra.s32 s14, $0x2;
	s14 =	sadd.s32 $0x200, s14  }
0x3c: {  	s15 =	sadd.s32 $0x48, s15;
	s16 =	sadd.s32 $0xBEA0, s16  }
0x3d: {  	[spmem:s15] =	stream.linear.scatter [tilespmem:s16], [sflag:$0xC], $0x48, $0x38;
	[tilespmem:$0x1B2A0] =	vst v63  }
0x3e: {  	_ =	swait.ge [sflag:s19], $0x2400  }
0x3f: {  	[sflag:s19] =	ssyncset.done $0x0  }
0x40: {  	s14 =	simm.s32 $0xBEA0;
	[sflag:s19] =	ssyncadd.s32 $0xFFFFDC00  }
0x41: {  	[spmem:s10] =	stream.linear.scatter [tilespmem:s14], [sflag:$0xC], $0x48, $0x38;
	[tilespmem:$0x1B2A0] =	vst v63  }
0x42: {  	s15 =	smov.u32 s10;
	s14 =	simm.s32 $0x200  }
.LBB2_8:
0x43: {  	p0 =	sne.s32 s14, $0xFE00  }
.Ltmp3:
0x44: {  	_ = 	snop;
	(pc) =	sbr.rel @p0 .LBB2_8-.Ltmp3, $4  }
0x45: {  	_ = 	snop  }
0x46: {  	s16 =	sshra.s32 s14, $0x2;
	s14 =	sadd.s32 $0x200, s14  }
0x47: {  	s15 =	sadd.s32 $0x48, s15;
	s16 =	sadd.s32 $0xBEA0, s16  }
0x48: {  	[spmem:s15] =	stream.linear.scatter [tilespmem:s16], [sflag:$0xC], $0x48, $0x38;
	[tilespmem:$0x1B2A0] =	vst v63  }
0x49: {  	_ =	swait.ge [sflag:s19], $0x2400  }
0x4a: {  	[sflag:s19] =	ssyncset.done $0x0  }
0x4b: {  	s14 =	simm.s32 $0xBEA0;
	[sflag:s19] =	ssyncadd.s32 $0xFFFFDC00  }
0x4c: {  	[spmem:s11] =	stream.linear.scatter [tilespmem:s14], [sflag:$0xC], $0x48, $0x38;
	[tilespmem:$0x1B2A0] =	vst v63  }
0x4d: {  	s15 =	smov.u32 s11;
	s14 =	simm.s32 $0x200  }
.LBB2_10:
0x4e: {  	p0 =	sne.s32 s14, $0xFE00  }
.Ltmp4:
0x4f: {  	_ = 	snop;
	(pc) =	sbr.rel @p0 .LBB2_10-.Ltmp4, $4  }
0x50: {  	_ = 	snop  }
0x51: {  	s16 =	sshra.s32 s14, $0x2;
	s14 =	sadd.s32 $0x200, s14  }
0x52: {  	s15 =	sadd.s32 $0x48, s15;
	s16 =	sadd.s32 $0xBEA0, s16  }
0x53: {  	[spmem:s15] =	stream.linear.scatter [tilespmem:s16], [sflag:$0xC], $0x48, $0x38;
	[tilespmem:$0x1B2A0] =	vst v63  }
0x54: {  	_ =	swait.ge [sflag:s19], $0x2400  }
0x55: {  	[sflag:s19] =	ssyncset.done $0x0  }
0x56: {  	s14 =	simm.s32 $0xBEA0;
	[sflag:s19] =	ssyncadd.s32 $0xFFFFDC00  }
0x57: {  	[spmem:s12] =	stream.linear.scatter [tilespmem:s14], [sflag:$0xC], $0x48, $0x38;
	[tilespmem:$0x1B2A0] =	vst v63  }
0x58: {  	s15 =	smov.u32 s12;
	s14 =	simm.s32 $0x200  }
.LBB2_12:
0x59: {  	p0 =	sne.s32 s14, $0xFE00  }
.Ltmp5:
0x5a: {  	_ = 	snop;
	(pc) =	sbr.rel @p0 .LBB2_12-.Ltmp5, $4  }
0x5b: {  	_ = 	snop  }
0x5c: {  	s16 =	sshra.s32 s14, $0x2;
	s14 =	sadd.s32 $0x200, s14  }
0x5d: {  	s15 =	sadd.s32 $0x48, s15;
	s16 =	sadd.s32 $0xBEA0, s16  }
0x5e: {  	[spmem:s15] =	stream.linear.scatter [tilespmem:s16], [sflag:$0xC], $0x48, $0x38;
	[tilespmem:$0x1B2A0] =	vst v63  }
0x5f: {  	_ =	swait.ge [sflag:s19], $0x2400  }
0x60: {  	[sflag:s19] =	ssyncset.done $0x0  }
0x61: {  	[sflag:s19] =	ssyncadd.s32 $0xFFFFDC00  }
0x62: {  	_ =	swait.ge [sflag:s20], $0x2710  }
0x63: {  	[sflag:s20] =	ssyncset.done $0x0  }
0x64: {  	[sflag:s20] =	ssyncadd.s32 $0xFFFFD8F0  }
0x65: {  	_ =	swait.ge [sflag:s20], $0x2710  }
0x66: {  	[sflag:s20] =	ssyncset.done $0x0  }
0x67: {  	[sflag:s20] =	ssyncadd.s32 $0xFFFFD8F0  }
0x68: {  	s14 =	simm.s32 $0x0;
	[bflag:$0x0] =	sbarrier.arrive $0xFFFF  }
0x69: {  	[tilespmem:s22], [sflag:$0x2] =	stream.indirect.gather [hbm4b:s4+s21], $0x48, s14, s21, $0xb8;
	[tilespmem:$0x1B2A0] =	vst v63  }
0x6a: {  	_ = 	snop  }
0x6b: {  	[tilespmem:s23], [sflag:$0x3] =	stream.indirect.gather [hbm4b:s4+s21], $0x48, s21, s21, $0xb8;
	[tilespmem:$0x1B2A0] =	vst v63  }
0x6c: {  	s16 =	simm.s32 $0xA0  }
0x6d: {  	[tilespmem:s25], [sflag:$0x4] =	stream.indirect.gather [hbm4b:s4+s21], $0x48, s16, s21, $0xb8;
	[tilespmem:$0x1B2A0] =	vst v63  }
0x6e: {  	s15 =	simm.s32 $0xF0  }
0x6f: {  	[tilespmem:s28], [sflag:$0x5] =	stream.indirect.gather [hbm4b:s4+s21], $0x48, s15, s21, $0xb8;
	[tilespmem:$0x1B2A0] =	vst v63  }
0x70: {  	s16 =	simm.s32 $0x140  }
0x71: {  	[tilespmem:s30], [sflag:$0x6] =	stream.indirect.gather [hbm4b:s4+s21], $0x48, s16, s21, $0xb8;
	[tilespmem:$0x1B2A0] =	vst v63  }
0x72: {  	_ =	swait.ge [sflag:s31], $0x1680  }
0x73: {  	[sflag:s31] =	ssyncset.done $0x0  }
0x74: {  	s15 =	simm.s32 $0x2710;
	[sflag:s31] =	ssyncadd.s32 $0xFFFFE980  }
0x75: {  	[spmem:s2] =	stream.indirect.scatter.add.f32 [tilespmem:s22], [sflag:$0x7], $0x48, s15, s21, $0xb8;
	[tilespmem:$0x1B2A0] =	vst v63  }
0x76: {  	_ =	swait.ge [sflag:s1], $0x1680  }
0x77: {  	[sflag:s1] =	ssyncset.done $0x0  }
0x78: {  	s16 =	simm.s32 $0x2760;
	[sflag:s1] =	ssyncadd.s32 $0xFFFFE980  }
0x79: {  	[spmem:s2] =	stream.indirect.scatter.add.f32 [tilespmem:s23], [sflag:$0x8], $0x48, s16, s21, $0xb8;
	[tilespmem:$0x1B2A0] =	vst v63  }
0x7a: {  	_ =	swait.ge [sflag:s24], $0x1680  }
0x7b: {  	[sflag:s24] =	ssyncset.done $0x0  }
0x7c: {  	s15 =	simm.s32 $0x27B0;
	[sflag:s24] =	ssyncadd.s32 $0xFFFFE980  }
0x7d: {  	[spmem:s2] =	stream.indirect.scatter.add.f32 [tilespmem:s25], [sflag:$0x9], $0x48, s15, s21, $0xb8;
	[tilespmem:$0x1B2A0] =	vst v63  }
0x7e: {  	_ =	swait.ge [sflag:s29], $0x1680  }
0x7f: {  	[sflag:s29] =	ssyncset.done $0x0  }
0x80: {  	s16 =	simm.s32 $0x2800;
	[sflag:s29] =	ssyncadd.s32 $0xFFFFE980  }
0x81: {  	[spmem:s2] =	stream.indirect.scatter.add.f32 [tilespmem:s28], [sflag:$0xA], $0x48, s16, s21, $0xb8;
	[tilespmem:$0x1B2A0] =	vst v63  }
0x82: {  	_ =	swait.ge [sflag:s26], $0x1680  }
0x83: {  	[sflag:s26] =	ssyncset.done $0x0  }
0x84: {  	s15 =	simm.s32 $0x2850;
	[sflag:s26] =	ssyncadd.s32 $0xFFFFE980  }
0x85: {  	[spmem:s2] =	stream.indirect.scatter.add.f32 [tilespmem:s30], [sflag:$0xB], $0x48, s15, s21, $0xb8;
	[tilespmem:$0x1B2A0] =	vst v63  }
0x86: {  	_ =	swait.ge [sflag:s0], $0x1680  }
0x87: {  	[sflag:s0] =	ssyncset.done $0x0  }
0x88: {  	s16 =	simm.s32 $0x190;
	[sflag:s0] =	ssyncadd.s32 $0xFFFFE980  }
0x89: {  	[tilespmem:s22], [sflag:$0x2] =	stream.indirect.gather [hbm4b:s4+s21], $0x48, s16, s21, $0xb8;
	[tilespmem:$0x1B2A0] =	vst v63  }
0x8a: {  	_ =	swait.ge [sflag:s5], $0x1680  }
0x8b: {  	[sflag:s5] =	ssyncset.done $0x0  }
0x8c: {  	s15 =	simm.s32 $0x1E0;
	[sflag:s5] =	ssyncadd.s32 $0xFFFFE980  }
0x8d: {  	[tilespmem:s23], [sflag:$0x3] =	stream.indirect.gather [hbm4b:s4+s21], $0x48, s15, s21, $0xb8;
	[tilespmem:$0x1B2A0] =	vst v63  }
0x8e: {  	_ =	swait.ge [sflag:s7], $0x1680  }
0x8f: {  	[sflag:s7] =	ssyncset.done $0x0  }
0x90: {  	s16 =	simm.s32 $0x230;
	[sflag:s7] =	ssyncadd.s32 $0xFFFFE980  }
0x91: {  	[tilespmem:s25], [sflag:$0x4] =	stream.indirect.gather [hbm4b:s4+s21], $0x48, s16, s21, $0xb8;
	[tilespmem:$0x1B2A0] =	vst v63  }
0x92: {  	_ =	swait.ge [sflag:s8], $0x1680  }
0x93: {  	[sflag:s8] =	ssyncset.done $0x0  }
0x94: {  	s15 =	simm.s32 $0x280;
	[sflag:s8] =	ssyncadd.s32 $0xFFFFE980  }
0x95: {  	[tilespmem:s28], [sflag:$0x5] =	stream.indirect.gather [hbm4b:s4+s21], $0x48, s15, s21, $0xb8;
	[tilespmem:$0x1B2A0] =	vst v63  }
0x96: {  	_ =	swait.ge [sflag:s18], $0x1680  }
0x97: {  	[sflag:s18] =	ssyncset.done $0x0  }
0x98: {  	s16 =	simm.s32 $0x2D0;
	[sflag:s18] =	ssyncadd.s32 $0xFFFFE980  }
0x99: {  	[tilespmem:s30], [sflag:$0x6] =	stream.indirect.gather [hbm4b:s4+s21], $0x48, s16, s21, $0xb8;
	[tilespmem:$0x1B2A0] =	vst v63  }
0x9a: {  	_ =	swait.ge [sflag:s31], $0x1680  }
0x9b: {  	[sflag:s31] =	ssyncset.done $0x0  }
0x9c: {  	s15 =	simm.s32 $0x28A0;
	[sflag:s31] =	ssyncadd.s32 $0xFFFFE980  }
0x9d: {  	[spmem:s2] =	stream.indirect.scatter.add.f32 [tilespmem:s22], [sflag:$0x7], $0x48, s15, s21, $0xb8;
	[tilespmem:$0x1B2A0] =	vst v63  }
0x9e: {  	_ =	swait.ge [sflag:s1], $0x1680  }
0x9f: {  	[sflag:s1] =	ssyncset.done $0x0  }
0xa0: {  	s16 =	simm.s32 $0x28F0;
	[sflag:s1] =	ssyncadd.s32 $0xFFFFE980  }
0xa1: {  	[spmem:s2] =	stream.indirect.scatter.add.f32 [tilespmem:s23], [sflag:$0x8], $0x48, s16, s21, $0xb8;
	[tilespmem:$0x1B2A0] =	vst v63  }
0xa2: {  	_ =	swait.ge [sflag:s24], $0x1680  }
0xa3: {  	[sflag:s24] =	ssyncset.done $0x0  }
0xa4: {  	s15 =	simm.s32 $0x2940;
	[sflag:s24] =	ssyncadd.s32 $0xFFFFE980  }
0xa5: {  	[spmem:s2] =	stream.indirect.scatter.add.f32 [tilespmem:s25], [sflag:$0x9], $0x48, s15, s21, $0xb8;
	[tilespmem:$0x1B2A0] =	vst v63  }
0xa6: {  	_ =	swait.ge [sflag:s29], $0x1680  }
0xa7: {  	[sflag:s29] =	ssyncset.done $0x0  }
0xa8: {  	s16 =	simm.s32 $0x2990;
	[sflag:s29] =	ssyncadd.s32 $0xFFFFE980  }
0xa9: {  	[spmem:s2] =	stream.indirect.scatter.add.f32 [tilespmem:s28], [sflag:$0xA], $0x48, s16, s21, $0xb8;
	[tilespmem:$0x1B2A0] =	vst v63  }
0xaa: {  	_ =	swait.ge [sflag:s26], $0x1680  }
0xab: {  	[sflag:s26] =	ssyncset.done $0x0  }
0xac: {  	s14 =	simm.s32 $0x640;
	s15 =	simm.s32 $0x29E0;
	[sflag:s26] =	ssyncadd.s32 $0xFFFFE980  }
.LBB2_14:
0xad: {  	[spmem:s2] =	stream.indirect.scatter.add.f32 [tilespmem:s30], [sflag:$0xB], $0x48, s15, s21, $0xb8;
	[tilespmem:$0x1B2A0] =	vst v63  }
0xae: {  	s15 =	smov.u32 s14  }
0xaf: {  	p0 =	sne.s32 s14, $0x8FC0;
	s14 =	sadd.s32 $0x640, s14;
	_ =	swait.ge [sflag:s0], $0x1680  }
0xb0: {  	s15 =	sshra.s32 s15, $0x2;
	[sflag:s0] =	ssyncset.done $0x0  }
0xb1: {  	s16 =	sadd.s32 $0x190, s15;
	[sflag:s0] =	ssyncadd.s32 $0xFFFFE980  }
0xb2: {  	[tilespmem:s22], [sflag:$0x2] =	stream.indirect.gather [hbm4b:s4+s21], $0x48, s16, s21, $0xb8;
	[tilespmem:$0x1B2A0] =	vst v63  }
0xb3: {  	_ =	swait.ge [sflag:s5], $0x1680  }
0xb4: {  	[sflag:s5] =	ssyncset.done $0x0  }
0xb5: {  	s16 =	sadd.s32 $0x1E0, s15;
	[sflag:s5] =	ssyncadd.s32 $0xFFFFE980  }
0xb6: {  	[tilespmem:s23], [sflag:$0x3] =	stream.indirect.gather [hbm4b:s4+s21], $0x48, s16, s21, $0xb8;
	[tilespmem:$0x1B2A0] =	vst v63  }
0xb7: {  	_ =	swait.ge [sflag:s7], $0x1680  }
0xb8: {  	[sflag:s7] =	ssyncset.done $0x0  }
0xb9: {  	s16 =	sadd.s32 $0x230, s15;
	[sflag:s7] =	ssyncadd.s32 $0xFFFFE980  }
0xba: {  	[tilespmem:s25], [sflag:$0x4] =	stream.indirect.gather [hbm4b:s4+s21], $0x48, s16, s21, $0xb8;
	[tilespmem:$0x1B2A0] =	vst v63  }
0xbb: {  	_ =	swait.ge [sflag:s8], $0x1680  }
0xbc: {  	[sflag:s8] =	ssyncset.done $0x0  }
0xbd: {  	s16 =	sadd.s32 $0x280, s15;
	[sflag:s8] =	ssyncadd.s32 $0xFFFFE980  }
0xbe: {  	[tilespmem:s28], [sflag:$0x5] =	stream.indirect.gather [hbm4b:s4+s21], $0x48, s16, s21, $0xb8;
	[tilespmem:$0x1B2A0] =	vst v63  }
0xbf: {  	_ =	swait.ge [sflag:s18], $0x1680  }
0xc0: {  	[sflag:s18] =	ssyncset.done $0x0  }
0xc1: {  	s16 =	sadd.s32 $0x2D0, s15;
	[sflag:s18] =	ssyncadd.s32 $0xFFFFE980  }
0xc2: {  	[tilespmem:s30], [sflag:$0x6] =	stream.indirect.gather [hbm4b:s4+s21], $0x48, s16, s21, $0xb8;
	[tilespmem:$0x1B2A0] =	vst v63  }
0xc3: {  	_ =	swait.ge [sflag:s31], $0x1680  }
0xc4: {  	[sflag:s31] =	ssyncset.done $0x0  }
0xc5: {  	s16 =	sadd.s32 $0x28A0, s15;
	[sflag:s31] =	ssyncadd.s32 $0xFFFFE980  }
0xc6: {  	[spmem:s2] =	stream.indirect.scatter.add.f32 [tilespmem:s22], [sflag:$0x7], $0x48, s16, s21, $0xb8;
	[tilespmem:$0x1B2A0] =	vst v63  }
0xc7: {  	_ =	swait.ge [sflag:s1], $0x1680  }
0xc8: {  	[sflag:s1] =	ssyncset.done $0x0  }
0xc9: {  	s16 =	sadd.s32 $0x28F0, s15;
	[sflag:s1] =	ssyncadd.s32 $0xFFFFE980  }
0xca: {  	[spmem:s2] =	stream.indirect.scatter.add.f32 [tilespmem:s23], [sflag:$0x8], $0x48, s16, s21, $0xb8;
	[tilespmem:$0x1B2A0] =	vst v63  }
0xcb: {  	_ =	swait.ge [sflag:s24], $0x1680  }
0xcc: {  	[sflag:s24] =	ssyncset.done $0x0  }
0xcd: {  	s16 =	sadd.s32 $0x2940, s15;
	[sflag:s24] =	ssyncadd.s32 $0xFFFFE980  }
0xce: {  	[spmem:s2] =	stream.indirect.scatter.add.f32 [tilespmem:s25], [sflag:$0x9], $0x48, s16, s21, $0xb8;
	[tilespmem:$0x1B2A0] =	vst v63  }
0xcf: {  	_ =	swait.ge [sflag:s29], $0x1680  }
0xd0: {  	[sflag:s29] =	ssyncset.done $0x0  }
.Ltmp6:
0xd1: {  	s16 =	sadd.s32 $0x2990, s15;
	[sflag:s29] =	ssyncadd.s32 $0xFFFFE980;
	(pc) =	sbr.rel @p0 .LBB2_14-.Ltmp6, $4  }
0xd2: {  	[spmem:s2] =	stream.indirect.scatter.add.f32 [tilespmem:s28], [sflag:$0xA], $0x48, s16, s21, $0xb8;
	[tilespmem:$0x1B2A0] =	vst v63  }
0xd3: {  	_ =	swait.ge [sflag:s26], $0x1680  }
0xd4: {  	[sflag:s26] =	ssyncset.done $0x0  }
0xd5: {  	s15 =	sadd.s32 $0x29E0, s15;
	[sflag:s26] =	ssyncadd.s32 $0xFFFFE980  }
0xd6: {  	[spmem:s2] =	stream.indirect.scatter.add.f32 [tilespmem:s30], [sflag:$0xB], $0x48, s15, s21, $0xb8;
	[tilespmem:$0x1B2A0] =	vst v63  }
0xd7: {  	_ =	swait.ge [sflag:s0], $0x1680  }
0xd8: {  	[sflag:s0] =	ssyncset.done $0x0  }
0xd9: {  	[sflag:s0] =	ssyncadd.s32 $0xFFFFE980  }
0xda: {  	_ =	swait.ge [sflag:s5], $0x1680  }
0xdb: {  	[sflag:s5] =	ssyncset.done $0x0  }
0xdc: {  	[sflag:s5] =	ssyncadd.s32 $0xFFFFE980  }
0xdd: {  	_ =	swait.ge [sflag:s7], $0x1680  }
0xde: {  	[sflag:s7] =	ssyncset.done $0x0  }
0xdf: {  	[sflag:s7] =	ssyncadd.s32 $0xFFFFE980  }
0xe0: {  	_ =	swait.ge [sflag:s8], $0x1680  }
0xe1: {  	[sflag:s8] =	ssyncset.done $0x0  }
0xe2: {  	[sflag:s8] =	ssyncadd.s32 $0xFFFFE980  }
0xe3: {  	_ =	swait.ge [sflag:s18], $0x1680  }
0xe4: {  	[sflag:s18] =	ssyncset.done $0x0  }
0xe5: {  	s14 =	simm.s32 $0xBEA0;
	[sflag:s18] =	ssyncadd.s32 $0xFFFFE980  }
0xe6: {  	s16 =	sadd.s32 $0x0, s6;
	s15 =	simm.s32 $0x120;
	[bflag:$0x0] =	sbarrier.arrive $0xFFFF  }
0xe7: {  	[tilespmem:s14], [sflag:$0xC] =	stream.linear.gather [spmem:s16], $0x48, $0x38;
	[tilespmem:$0x1B2A0] =	vst v63  }
.LBB2_16:
0xe8: {  	p0 =	sne.s32 s15, $0x8EE0  }
.Ltmp7:
0xe9: {  	_ = 	snop;
	(pc) =	sbr.rel @p0 .LBB2_16-.Ltmp7, $4  }
0xea: {  	_ = 	snop  }
0xeb: {  	s16 =	sshra.s32 s15, $0x2;
	s15 =	sadd.s32 $0x120, s15  }
0xec: {  	s14 =	sadd.s32 $0x80, s14;
	s16 =	sadd.s32 s16, s6  }
0xed: {  	[tilespmem:s14], [sflag:$0xC] =	stream.linear.gather [spmem:s16], $0x48, $0x38;
	[tilespmem:$0x1B2A0] =	vst v63  }
0xee: {  	_ =	swait.ge [sflag:s19], $0x2400  }
0xef: {  	s15 =	simm.s32 $0x0;
	[sflag:s19] =	ssyncset.done $0x0  }
0xf0: {  	s14 =	simm.s32 $0xBEA0;
	s16 =	rddreg [dreg:$0x6];
	[sflag:s19] =	ssyncadd.s32 $0xFFFFDC00  }
0xf1: {  	[hbm4b:s16+s15] =	stream.linear.scatter [tilespmem:s14], [sflag:$0xC], $0x4000, $0x38;
	[tilespmem:$0x1B2A0] =	vst v63  }
0xf2: {  	_ =	swait.ge [sflag:s19], $0x4000  }
0xf3: {  	[sflag:s19] =	ssyncset.done $0x0  }
0xf4: {  	s16 =	sadd.s32 $0x0, s9;
	s15 =	simm.s32 $0x120;
	[sflag:s19] =	ssyncadd.s32 $0xFFFFC000  }
0xf5: {  	[tilespmem:s14], [sflag:$0xC] =	stream.linear.gather [spmem:s16], $0x48, $0x38;
	[tilespmem:$0x1B2A0] =	vst v63  }
.LBB2_18:
0xf6: {  	p0 =	sne.s32 s15, $0x8EE0  }
.Ltmp8:
0xf7: {  	_ = 	snop;
	(pc) =	sbr.rel @p0 .LBB2_18-.Ltmp8, $4  }
0xf8: {  	_ = 	snop  }
0xf9: {  	s16 =	sshra.s32 s15, $0x2;
	s15 =	sadd.s32 $0x120, s15  }
0xfa: {  	s14 =	sadd.s32 $0x80, s14;
	s16 =	sadd.s32 s16, s9  }
0xfb: {  	[tilespmem:s14], [sflag:$0xC] =	stream.linear.gather [spmem:s16], $0x48, $0x38;
	[tilespmem:$0x1B2A0] =	vst v63  }
0xfc: {  	_ =	swait.ge [sflag:s19], $0x2400  }
0xfd: {  	s15 =	simm.s32 $0x0;
	[sflag:s19] =	ssyncset.done $0x0  }
0xfe: {  	s14 =	simm.s32 $0xBEA0;
	s16 =	rddreg [dreg:$0x7];
	[sflag:s19] =	ssyncadd.s32 $0xFFFFDC00  }
0xff: {  	[hbm4b:s16+s15] =	stream.linear.scatter [tilespmem:s14], [sflag:$0xC], $0x4000, $0x38;
	[tilespmem:$0x1B2A0] =	vst v63  }
0x100: {  	_ =	swait.ge [sflag:s19], $0x4000  }
0x101: {  	[sflag:s19] =	ssyncset.done $0x0  }
0x102: {  	s16 =	sadd.s32 $0x0, s10;
	s15 =	simm.s32 $0x120;
	[sflag:s19] =	ssyncadd.s32 $0xFFFFC000  }
0x103: {  	[tilespmem:s14], [sflag:$0xC] =	stream.linear.gather [spmem:s16], $0x48, $0x38;
	[tilespmem:$0x1B2A0] =	vst v63  }
.LBB2_20:
0x104: {  	p0 =	sne.s32 s15, $0x8EE0  }
.Ltmp9:
0x105: {  	_ = 	snop;
	(pc) =	sbr.rel @p0 .LBB2_20-.Ltmp9, $4  }
0x106: {  	_ = 	snop  }
0x107: {  	s16 =	sshra.s32 s15, $0x2;
	s15 =	sadd.s32 $0x120, s15  }
0x108: {  	s14 =	sadd.s32 $0x80, s14;
	s16 =	sadd.s32 s16, s10  }
0x109: {  	[tilespmem:s14], [sflag:$0xC] =	stream.linear.gather [spmem:s16], $0x48, $0x38;
	[tilespmem:$0x1B2A0] =	vst v63  }
0x10a: {  	_ =	swait.ge [sflag:s19], $0x2400  }
0x10b: {  	s15 =	simm.s32 $0x0;
	[sflag:s19] =	ssyncset.done $0x0  }
0x10c: {  	s14 =	simm.s32 $0xBEA0;
	s16 =	rddreg [dreg:$0x8];
	[sflag:s19] =	ssyncadd.s32 $0xFFFFDC00  }
0x10d: {  	[hbm4b:s16+s15] =	stream.linear.scatter [tilespmem:s14], [sflag:$0xC], $0x4000, $0x38;
	[tilespmem:$0x1B2A0] =	vst v63  }
0x10e: {  	_ =	swait.ge [sflag:s19], $0x4000  }
0x10f: {  	[sflag:s19] =	ssyncset.done $0x0  }
0x110: {  	s16 =	sadd.s32 $0x0, s11;
	s15 =	simm.s32 $0x120;
	[sflag:s19] =	ssyncadd.s32 $0xFFFFC000  }
0x111: {  	[tilespmem:s14], [sflag:$0xC] =	stream.linear.gather [spmem:s16], $0x48, $0x38;
	[tilespmem:$0x1B2A0] =	vst v63  }
.LBB2_22:
0x112: {  	p0 =	sne.s32 s15, $0x8EE0  }
.Ltmp10:
0x113: {  	_ = 	snop;
	(pc) =	sbr.rel @p0 .LBB2_22-.Ltmp10, $4  }
0x114: {  	_ = 	snop  }
0x115: {  	s16 =	sshra.s32 s15, $0x2;
	s15 =	sadd.s32 $0x120, s15  }
0x116: {  	s14 =	sadd.s32 $0x80, s14;
	s16 =	sadd.s32 s16, s11  }
0x117: {  	[tilespmem:s14], [sflag:$0xC] =	stream.linear.gather [spmem:s16], $0x48, $0x38;
	[tilespmem:$0x1B2A0] =	vst v63  }
0x118: {  	_ =	swait.ge [sflag:s19], $0x2400  }
0x119: {  	s15 =	simm.s32 $0x0;
	[sflag:s19] =	ssyncset.done $0x0  }
0x11a: {  	s14 =	simm.s32 $0xBEA0;
	s16 =	rddreg [dreg:$0x9];
	[sflag:s19] =	ssyncadd.s32 $0xFFFFDC00  }
0x11b: {  	[hbm4b:s16+s15] =	stream.linear.scatter [tilespmem:s14], [sflag:$0xC], $0x4000, $0x38;
	[tilespmem:$0x1B2A0] =	vst v63  }
0x11c: {  	_ =	swait.ge [sflag:s19], $0x4000  }
0x11d: {  	[sflag:s19] =	ssyncset.done $0x0  }
0x11e: {  	s16 =	sadd.s32 $0x0, s12;
	s15 =	simm.s32 $0x120;
	[sflag:s19] =	ssyncadd.s32 $0xFFFFC000  }
0x11f: {  	[tilespmem:s14], [sflag:$0xC] =	stream.linear.gather [spmem:s16], $0x48, $0x38;
	[tilespmem:$0x1B2A0] =	vst v63  }
.LBB2_24:
0x120: {  	p0 =	sne.s32 s15, $0x8EE0  }
.Ltmp11:
0x121: {  	_ = 	snop;
	(pc) =	sbr.rel @p0 .LBB2_24-.Ltmp11, $4  }
0x122: {  	_ = 	snop  }
0x123: {  	s16 =	sshra.s32 s15, $0x2;
	s15 =	sadd.s32 $0x120, s15  }
0x124: {  	s14 =	sadd.s32 $0x80, s14;
	s16 =	sadd.s32 s16, s12  }
0x125: {  	[tilespmem:s14], [sflag:$0xC] =	stream.linear.gather [spmem:s16], $0x48, $0x38;
	[tilespmem:$0x1B2A0] =	vst v63  }
0x126: {  	_ =	swait.ge [sflag:s19], $0x2400  }
0x127: {  	[sflag:s19] =	ssyncset.done $0x0  }
0x128: {  	s14 =	simm.s32 $0xBEA0;
	[sflag:s19] =	ssyncadd.s32 $0xFFFFDC00  }
0x129: {  	[hbm4b:s17+s3] =	stream.linear.scatter [tilespmem:s14], [sflag:$0xC], $0x4000, $0x38;
	[tilespmem:$0x1B2A0] =	vst v63  }
0x12a: {  	_ =	swait.ge [sflag:s19], $0x4000  }
0x12b: {  	s13 =	sadd.s32 $0x1, s13;
	s16 =	rddreg [dreg:$0x5]  }
0x12c: {  	p0 =	sne.s32 s13, s16  }
.Ltmp12:
0x12d: {  	_ = 	snop;
	(pc) =	sbr.rel @p0 .LBB2_1-.Ltmp12, $3  }
0x12e: {  	_ =	sdelay $0x1  }
0x12f: {  	[sflag:s19] =	ssyncset.done $0x0  }
0x130: {  	[sflag:s19] =	ssyncadd.s32 $0xFFFFC000  }
0x131: {  	_ =	sfence.sel $0x180000  }
0x132: {  	[bflag:$0x0] =	sbarrier.arrive $0xFFFF  }
0x133: {  	_ =	strace $0x90000047  }
0x134: {  	s0 =	stileid.u32;
	[bflag:$0x2] =	sbarrier.arrive $0xFFFF  }
0x135: {  	p0 =	sne.s32 s0, $0x0;
	s0 =	rddreg [dreg:$0x2]  }
0x136: {  	s0 =	sadd.s32 @!p0 $0x100000, s0  }
0x137: {  	[sflag:s0] =	ssyncadd.tile.s32 @!p0 $0x1;
	_ =	shalt  }
.Lfunc_end2:
_tile_overlayer_lowered:
.L_overlay_start_2:
0x138: {  	(tag) =	ssettag $0x2  }
0x139: {  	s0 =	rddreg [dreg:$0x0];
	s2 =	stileid.u32  }
0x13a: {  	s1 =	rddreg [dreg:$0x1];
	p0 =	sne.s32 s2, $0x0  }
0x13b: {  	s3 =	rddreg [dreg:$0x2];
	[bflag:$0x3] =	sbarrier.arrive $0xFFFF;
	s2 =	simm.s32 @!p0 $0x1C0C  }
0x13c: {  	[timem:s3], [sflag:s2] =	dma.local @!p0 [hbm:s0], s1  }
0x13d: {  	s0 =	simm.s32 @!p0 $0xC  }
0x13e: {  	_ =	swait.ge @!p0 [sflag:s0], s1  }
0x13f: {  	s1 =	ssub.s32 @!p0 $0x0, s1;
	[sflag:s0] =	ssyncset.done @!p0 $0x0  }
0x140: {  	[sflag:s0] =	ssyncadd.s32 @!p0 s1  }
0x141: {  	[bflag:$0x3] =	sbarrier.arrive $0xFFFF  }
0x142: {  	_ =	shalt  }

</sc_bundles>
